<compile_context>
chip_gen: v7x
topology: tpu7x:2x2x1
jax: 0.10.2.dev20260603
libtpu: 0.0.44.dev20260713+nightly
codegen_flags: <defaults>
</compile_context>

<pallas_src>
import numpy as np
import jax
import jax.numpy as jnp
from jax import lax
from jax.experimental import pallas as pl
from jax.experimental.pallas import tpu as pltpu

_FEAT_STRIDE = 16
_PRE = 12000
_POST = 2000
_THR = 0.7
_S = 128
_NB = 94
_NPAD = _S * _NB


def _whctrs(a):
    w = a[2] - a[0] + 1.0
    h = a[3] - a[1] + 1.0
    return w, h, a[0] + 0.5 * (w - 1), a[1] + 0.5 * (h - 1)


def _mkanchors(ws, hs, xc, yc):
    ws = np.asarray(ws, dtype=np.float64).reshape(-1, 1)
    hs = np.asarray(hs, dtype=np.float64).reshape(-1, 1)
    return np.hstack((xc - 0.5 * (ws - 1), yc - 0.5 * (hs - 1),
                      xc + 0.5 * (ws - 1), yc + 0.5 * (hs - 1)))


def _gen_anchors():
    ratios = np.array([0.5, 1.0, 2.0])
    scales = np.array([8, 16, 32])
    base = np.array([1.0, 1.0, 16.0, 16.0]) - 1
    w, h, xc, yc = _whctrs(base)
    size = w * h
    ws = np.round(np.sqrt(size / ratios))
    hs = np.round(ws * ratios)
    ra = _mkanchors(ws, hs, xc, yc)
    rows = []
    for i in range(ra.shape[0]):
        w, h, xc, yc = _whctrs(ra[i])
        rows.append(_mkanchors(w * scales, h * scales, xc, yc))
    return np.vstack(rows).astype(np.float32)


def _anchor_grid(H, W):
    a0 = _gen_anchors()
    A = a0.shape[0]
    shift_x = np.arange(W) * _FEAT_STRIDE
    shift_y = np.arange(H) * _FEAT_STRIDE
    sx, sy = np.meshgrid(shift_x, shift_y)
    shifts = np.vstack((sx.ravel(), sy.ravel(), sx.ravel(), sy.ravel()))
    shifts = shifts.transpose().astype(np.float32)
    K = shifts.shape[0]
    anchors = a0[None, :, :] + shifts[:, None, :]
    return anchors.reshape(1, K * A, 4), A


_CH = 1024
_KCAP = 2304
_WIN = 256


def _nms_body(x1_ref, y1_ref, x2_ref, y2_ref, col_ref, out4_ref,
              k0_ref, k1_ref, k2_ref, k3_ref, kc_ref):
    f32 = jnp.float32
    i32 = jnp.int32
    tri = (lax.broadcasted_iota(i32, (_S, _S), 0)
           < lax.broadcasted_iota(i32, (_S, _S), 1))
    ut = (lax.broadcasted_iota(i32, (_S, _S), 0)
          <= lax.broadcasted_iota(i32, (_S, _S), 1)).astype(f32)
    ones_ch = jnp.ones((1, _CH), f32)
    iota_ch = lax.broadcasted_iota(i32, (_CH, 1), 0)
    iota_win = lax.broadcasted_iota(i32, (_WIN, 1), 0)
    lane = lax.broadcasted_iota(i32, (1, _S), 1)

    kc_ref[0] = 0
    k0_ref[:, :] = jnp.zeros((_KCAP, 4), f32)
    k1_ref[:, :] = jnp.zeros((_KCAP, 4), f32)
    k2_ref[:, :] = jnp.zeros((_KCAP, 4), f32)
    k3_ref[:, :] = jnp.zeros((_KCAP, 4), f32)

    def block_body(b, carry):
        @pl.when(kc_ref[0] < _POST)
        def _():
            kc = kc_ref[0]
            cx1 = x1_ref[0, pl.ds(b, 1), :]
            cy1 = y1_ref[0, pl.ds(b, 1), :]
            cx2 = x2_ref[0, pl.ds(b, 1), :]
            cy2 = y2_ref[0, pl.ds(b, 1), :]
            carea = (cx2 - cx1 + 1.0) * (cy2 - cy1 + 1.0)

            def chunk_body(c, scnt):
                q0 = k0_ref[pl.ds(c * _CH, _CH), :].astype(i32)
                q1 = k1_ref[pl.ds(c * _CH, _CH), :].astype(i32)
                q2 = k2_ref[pl.ds(c * _CH, _CH), :].astype(i32)
                q3 = k3_ref[pl.ds(c * _CH, _CH), :].astype(i32)
                kk = lax.bitcast_convert_type(
                    ((q3 * 256 + q2) * 256 + q1) * 256 + q0, f32)
                kx1 = kk[:, 0:1]
                ky1 = kk[:, 1:2]
                kx2 = kk[:, 2:3]
                ky2 = kk[:, 3:4]
                karea = (kx2 - kx1 + 1.0) * (ky2 - ky1 + 1.0)
                kvalid = (c * _CH + iota_ch) < kc
                a1 = jnp.maximum(kx1, cx1)
                b1 = jnp.maximum(ky1, cy1)
                a2 = jnp.minimum(kx2, cx2)
                b2 = jnp.minimum(ky2, cy2)
                ww = jnp.maximum(0.0, a2 - a1 + 1.0)
                hh = jnp.maximum(0.0, b2 - b1 + 1.0)
                it = ww * hh
                ov = it / (karea + carea - it)
                supm = ((ov > _THR) & kvalid).astype(f32)
                cnt = lax.dot_general(ones_ch, supm, (((1,), (0,)), ((), ())),
                                      preferred_element_type=f32)
                return scnt + cnt

            nch = (kc + _CH - 1) // _CH
            scnt = lax.fori_loop(0, nch, chunk_body, jnp.zeros((1, _S), f32))
            alive = ((b * _S + lane) < _PRE).astype(f32) * (scnt < 0.5)

            kx1 = col_ref[0, pl.ds(b * _S, _S), 0:1]
            ky1 = col_ref[0, pl.ds(b * _S, _S), 1:2]
            kx2 = col_ref[0, pl.ds(b * _S, _S), 2:3]
            ky2 = col_ref[0, pl.ds(b * _S, _S), 3:4]
            karea = (kx2 - kx1 + 1.0) * (ky2 - ky1 + 1.0)
            xx1 = jnp.maximum(kx1, cx1)
            yy1 = jnp.maximum(ky1, cy1)
            xx2 = jnp.minimum(kx2, cx2)
            yy2 = jnp.minimum(ky2, cy2)
            w = jnp.maximum(0.0, xx2 - xx1 + 1.0)
            h = jnp.maximum(0.0, yy2 - yy1 + 1.0)
            inter = w * h
            ovr = inter / (karea + carea - inter)
            mtri = ((ovr > _THR) & tri).astype(f32)

            def fix_cond(st):
                return st[1]

            def fix_body(st):
                keep, _ = st
                sup = lax.dot_general(keep, mtri, (((1,), (0,)), ((), ())),
                                      preferred_element_type=f32)
                nk = alive * (sup < 0.5).astype(f32)
                return nk, jnp.any(nk != keep)

            keep, _ = lax.while_loop(fix_cond, fix_body,
                                     (alive, jnp.bool_(True)))

            nk = jnp.sum(keep).astype(i32)

            @pl.when(nk > 0)
            def _():
                pos = (kc - 1) + lax.dot_general(
                    keep, ut, (((1,), (0,)), ((), ())),
                    preferred_element_type=f32).astype(i32)
                w0 = (kc // _S) * _S
                oh = ((iota_win + w0 == pos) & (keep > 0.5)).astype(f32)
                cbits = lax.bitcast_convert_type(
                    jnp.concatenate([cx1, cy1, cx2, cy2], axis=0), i32)
                c0 = (cbits % 256).astype(f32)
                r1 = cbits // 256
                c1 = (r1 % 256).astype(f32)
                r2 = r1 // 256
                c2 = (r2 % 256).astype(f32)
                c3 = (r2 // 256).astype(f32)
                for cc, kref in ((c0, k0_ref), (c1, k1_ref),
                                 (c2, k2_ref), (c3, k3_ref)):
                    u = lax.dot_general(oh, cc, (((1,), (1,)), ((), ())),
                                        preferred_element_type=f32)
                    kref[pl.ds(w0, _WIN), :] = kref[pl.ds(w0, _WIN), :] + u
                kc_ref[0] = kc + nk

        return carry

    lax.fori_loop(0, _NB, block_body, 0)

    q0 = k0_ref[pl.ds(0, _POST), :].astype(i32)
    q1 = k1_ref[pl.ds(0, _POST), :].astype(i32)
    q2 = k2_ref[pl.ds(0, _POST), :].astype(i32)
    q3 = k3_ref[pl.ds(0, _POST), :].astype(i32)
    out4_ref[0] = lax.bitcast_convert_type(
        ((q3 * 256 + q2) * 256 + q1) * 256 + q0, f32)


def _run_nms(x1r, y1r, x2r, y2r, colp):
    B = x1r.shape[0]
    spec_row = pl.BlockSpec((1, _NB, _S), lambda i: (i, 0, 0))
    spec_col = pl.BlockSpec((1, _NPAD, 4), lambda i: (i, 0, 0))
    return pl.pallas_call(
        _nms_body,
        grid=(B,),
        in_specs=[spec_row, spec_row, spec_row, spec_row, spec_col],
        out_specs=pl.BlockSpec((1, _POST, 4), lambda i: (i, 0, 0)),
        out_shape=jax.ShapeDtypeStruct((B, _POST, 4), jnp.float32),
        scratch_shapes=[pltpu.VMEM((_KCAP, 4), jnp.float32),
                        pltpu.VMEM((_KCAP, 4), jnp.float32),
                        pltpu.VMEM((_KCAP, 4), jnp.float32),
                        pltpu.VMEM((_KCAP, 4), jnp.float32),
                        pltpu.SMEM((1,), jnp.int32)],
    )(x1r, y1r, x2r, y2r, colp)


_NR = 162


def _xform_body(dx_ref, dy_ref, dw_ref, dh_ref, aw_ref, ah_ref, acx_ref,
                acy_ref, wm1_ref, hm1_ref, x1_ref, y1_ref, x2_ref, y2_ref):
    aw = aw_ref[:, :]
    ah = ah_ref[:, :]
    pcx = dx_ref[0] * aw + acx_ref[:, :]
    pcy = dy_ref[0] * ah + acy_ref[:, :]
    pw = jnp.exp(dw_ref[0]) * aw
    ph = jnp.exp(dh_ref[0]) * ah
    wm1 = wm1_ref[0]
    hm1 = hm1_ref[0]
    x1_ref[0] = jnp.minimum(jnp.maximum(pcx - 0.5 * pw, 0.0), wm1)
    y1_ref[0] = jnp.minimum(jnp.maximum(pcy - 0.5 * ph, 0.0), hm1)
    x2_ref[0] = jnp.minimum(jnp.maximum(pcx + 0.5 * pw, 0.0), wm1)
    y2_ref[0] = jnp.minimum(jnp.maximum(pcy + 0.5 * ph, 0.0), hm1)


def _run_xform(dx, dy, dw, dh, aw, ah, acx, acy, wm1, hm1):
    B = dx.shape[0]
    spec_b = pl.BlockSpec((1, _NR, _S), lambda i: (i, 0, 0))
    spec_c = pl.BlockSpec((_NR, _S), lambda i: (0, 0))
    spec_s = pl.BlockSpec((1, 1, _S), lambda i: (i, 0, 0))
    out = jax.ShapeDtypeStruct((B, _NR, _S), jnp.float32)
    return pl.pallas_call(
        _xform_body,
        grid=(B,),
        in_specs=[spec_b, spec_b, spec_b, spec_b,
                  spec_c, spec_c, spec_c, spec_c, spec_s, spec_s],
        out_specs=[spec_b, spec_b, spec_b, spec_b],
        out_shape=[out, out, out, out],
    )(dx, dy, dw, dh, aw, ah, acx, acy, wm1, hm1)


def kernel(scores, bbox_deltas, im_info):
    B = scores.shape[0]
    H, W = scores.shape[2], scores.shape[3]
    anchors_np, A = _anchor_grid(H, W)
    anchors = jnp.asarray(anchors_np)
    anchors = jnp.broadcast_to(anchors, (B, anchors.shape[1], 4))

    sc = scores[:, A:, :, :]
    sc_flat = jnp.transpose(sc, (0, 2, 3, 1)).reshape(B, -1)
    deltas = jnp.transpose(bbox_deltas, (0, 2, 3, 1)).reshape(B, -1, 4)

    a_np = anchors_np[0]
    aw_np = a_np[:, 2] - a_np[:, 0] + np.float32(1.0)
    ah_np = a_np[:, 3] - a_np[:, 1] + np.float32(1.0)
    acx_np = a_np[:, 0] + np.float32(0.5) * aw_np
    acy_np = a_np[:, 1] + np.float32(0.5) * ah_np
    aw = jnp.asarray(aw_np.reshape(_NR, _S))
    ah = jnp.asarray(ah_np.reshape(_NR, _S))
    acx = jnp.asarray(acx_np.reshape(_NR, _S))
    acy = jnp.asarray(acy_np.reshape(_NR, _S))
    dx = deltas[:, :, 0].reshape(B, _NR, _S)
    dy = deltas[:, :, 1].reshape(B, _NR, _S)
    dw = deltas[:, :, 2].reshape(B, _NR, _S)
    dh = deltas[:, :, 3].reshape(B, _NR, _S)
    wm1 = jnp.broadcast_to((im_info[:, 1:2] - 1.0)[:, :, None], (B, 1, _S))
    hm1 = jnp.broadcast_to((im_info[:, 0:1] - 1.0)[:, :, None], (B, 1, _S))
    x1, y1, x2, y2 = _run_xform(dx, dy, dw, dh, aw, ah, acx, acy, wm1, hm1)

    order = jnp.argsort(-sc_flat, axis=1)[:, :_PRE]
    order_p = jnp.pad(order, ((0, 0), (0, _NPAD - _PRE)))
    sx1 = jnp.take_along_axis(x1.reshape(B, -1), order_p, axis=1)
    sy1 = jnp.take_along_axis(y1.reshape(B, -1), order_p, axis=1)
    sx2 = jnp.take_along_axis(x2.reshape(B, -1), order_p, axis=1)
    sy2 = jnp.take_along_axis(y2.reshape(B, -1), order_p, axis=1)
    propsp = jnp.stack([sx1, sy1, sx2, sy2], axis=2)

    x1r = sx1.reshape(B, _NB, _S)
    y1r = sy1.reshape(B, _NB, _S)
    x2r = sx2.reshape(B, _NB, _S)
    y2r = sy2.reshape(B, _NB, _S)

    out4 = _run_nms(x1r, y1r, x2r, y2r, propsp)

    col0 = jnp.broadcast_to(
        jnp.arange(B, dtype=jnp.float32)[:, None, None], (B, _POST, 1))
    return jnp.concatenate([col0, out4], axis=2)

# --- scband reference (transcript-rebuilt; emitter-appended) ---
"""Pipeline reference for scband-proposal-layer-9371618639963 (READ-ONLY COPY).

The authoritative reference and input builder live on the scoring server;
editing this copy changes nothing except your own understanding.
"""

import jax, jax.numpy as jnp
import numpy as np

FEAT_STRIDE = 16
PRE_NMS_TOPN = 12000
POST_NMS_TOPN = 2000
NMS_THRESH = 0.7

def _whctrs(a):
    w = a[2] - a[0] + 1.0
    h = a[3] - a[1] + 1.0
    return w, h, a[0] + 0.5 * (w - 1), a[1] + 0.5 * (h - 1)

def _mkanchors(ws, hs, xc, yc):
    ws = np.asarray(ws, dtype=np.float64).reshape(-1, 1)
    hs = np.asarray(hs, dtype=np.float64).reshape(-1, 1)
    return np.hstack((xc - 0.5 * (ws - 1), yc - 0.5 * (hs - 1), xc + 0.5 * (ws - 1), yc + 0.5 * (hs - 1)))

def _ratio_enum(anchor, ratios):
    w, h, xc, yc = _whctrs(anchor)
    size = w * h
    ws = np.round(np.sqrt(size / ratios))
    hs = np.round(ws * ratios)
    return _mkanchors(ws, hs, xc, yc)

def _scale_enum(anchor, scales):
    w, h, xc, yc = _whctrs(anchor)
    return _mkanchors(w * scales, h * scales, xc, yc)

def generate_anchors(base_size=16, ratios=np.array([0.5, 1.0, 2.0]), scales=np.array([8, 16, 32])):
    base = np.array([1.0, 1.0, base_size, base_size]) - 1
    ra = _ratio_enum(base, ratios)
    return np.vstack([_scale_enum(ra[i], scales) for i in range(ra.shape[0])]).astype(np.float32)

def bbox_transform_inv(boxes, deltas):
    widths = boxes[:, :, 2] - boxes[:, :, 0] + 1.0
    heights = boxes[:, :, 3] - boxes[:, :, 1] + 1.0
    ctr_x = boxes[:, :, 0] + 0.5 * widths
    ctr_y = boxes[:, :, 1] + 0.5 * heights
    dx = deltas[:, :, 0]
    dy = deltas[:, :, 1]
    dw = deltas[:, :, 2]
    dh = deltas[:, :, 3]
    pcx = dx * widths + ctr_x
    pcy = dy * heights + ctr_y
    pw = jnp.exp(dw) * widths
    ph = jnp.exp(dh) * heights
    return jnp.stack([pcx - 0.5 * pw, pcy - 0.5 * ph, pcx + 0.5 * pw, pcy + 0.5 * ph], axis=2)

def clip_boxes(boxes, im_info):
    h = im_info[:, 0:1]
    w = im_info[:, 1:2]
    x1 = jnp.clip(boxes[:, :, 0], 0.0, w - 1.0)
    y1 = jnp.clip(boxes[:, :, 1], 0.0, h - 1.0)
    x2 = jnp.clip(boxes[:, :, 2], 0.0, w - 1.0)
    y2 = jnp.clip(boxes[:, :, 3], 0.0, h - 1.0)
    return jnp.stack([x1, y1, x2, y2], axis=2)

def nms_np(dets, thresh, max_keep):
    x1, y1, x2, y2 = dets[:, 0], dets[:, 1], dets[:, 2], dets[:, 3]
    areas = (x2 - x1 + 1.0) * (y2 - y1 + 1.0)
    n = dets.shape[0]
    suppressed = np.zeros(n, dtype=bool)
    keep = []
    for i in range(n):
        if suppressed[i]:
            continue
        keep.append(i)
        if len(keep) >= max_keep:
            break
        xx1 = np.maximum(x1[i], x1[i + 1:])
        yy1 = np.maximum(y1[i], y1[i + 1:])
        xx2 = np.minimum(x2[i], x2[i + 1:])
        yy2 = np.minimum(y2[i], y2[i + 1:])
        w = np.maximum(0.0, xx2 - xx1 + 1.0)
        h = np.maximum(0.0, yy2 - yy1 + 1.0)
        inter = w * h
        ovr = inter / (areas[i] + areas[i + 1:] - inter)
        suppressed[i + 1:] |= ovr > thresh
    return np.asarray(keep, dtype=np.int64)

def nms_jax_fixed(dets, thresh, max_keep):
    x1, y1, x2, y2 = dets[:, 0], dets[:, 1], dets[:, 2], dets[:, 3]
    areas = (x2 - x1 + 1.0) * (y2 - y1 + 1.0)
    n = dets.shape[0]
    idx = jnp.arange(n)

    def body(i, state):
        suppressed, keep, count = state
        can = jnp.logical_and(jnp.logical_not(suppressed[i]), count < max_keep)
        keep = jnp.where(can, keep.at[count].set(i), keep)
        xx1 = jnp.maximum(x1[i], x1)
        yy1 = jnp.maximum(y1[i], y1)
        xx2 = jnp.minimum(x2[i], x2)
        yy2 = jnp.minimum(y2[i], y2)
        w = jnp.maximum(0.0, xx2 - xx1 + 1.0)
        h = jnp.maximum(0.0, yy2 - yy1 + 1.0)
        inter = w * h
        ovr = inter / (areas[i] + areas - inter)
        mask = jnp.logical_and(idx > i, ovr > thresh)
        suppressed = jnp.where(can, jnp.logical_or(suppressed, mask), suppressed)
        count = count + can.astype(jnp.int32)
        return suppressed, keep, count

    suppressed0 = jnp.zeros(n, dtype=bool)
    keep0 = jnp.zeros(max_keep, dtype=jnp.int32)
    _, keep, count = jax.lax.fori_loop(0, n, body, (suppressed0, keep0, jnp.int32(0)))
    return keep, count

def _make_anchors_grid(H, W, A, anchors0):
    shift_x = np.arange(W) * FEAT_STRIDE
    shift_y = np.arange(H) * FEAT_STRIDE
    sx, sy = np.meshgrid(shift_x, shift_y)
    shifts = np.vstack((sx.ravel(), sy.ravel(), sx.ravel(), sy.ravel())).transpose().astype(np.float32)
    K = shifts.shape[0]
    anchors = anchors0[None, :, :] + shifts[:, None, :]
    return anchors.reshape(1, K * A, 4)

def setup_inputs(seed: int = 0):
    key = jax.random.key(seed)
    k1, k2, k3 = jax.random.split(key, 3)
    scores = jax.random.normal(k1, (4, 18, 48, 48), dtype=jnp.float32)
    bbox_deltas = jax.random.normal(k2, (4, 36, 48, 48), dtype=jnp.float32)
    im_info = jax.random.randint(k3, (4, 3), 0, 768).astype(jnp.float32)
    return {"scores": scores, "bbox_deltas": bbox_deltas, "im_info": im_info}

def reference(scores, bbox_deltas, im_info):
    anchors0 = generate_anchors(scales=np.array([8, 16, 32]), ratios=np.array([0.5, 1.0, 2.0]))
    A = anchors0.shape[0]
    sc = scores[:, A:, :, :]
    B = bbox_deltas.shape[0]
    H, W = sc.shape[2], sc.shape[3]
    anchors = jnp.asarray(_make_anchors_grid(H, W, A, anchors0))
    anchors = jnp.broadcast_to(anchors, (B, anchors.shape[1], 4))
    deltas = jnp.transpose(bbox_deltas, (0, 2, 3, 1)).reshape(B, -1, 4)
    sc_flat = jnp.transpose(sc, (0, 2, 3, 1)).reshape(B, -1)
    proposals = bbox_transform_inv(anchors, deltas)
    proposals = clip_boxes(proposals, im_info)
    order = jnp.argsort(-sc_flat, axis=1)
    rows = []
    for i in range(B):
        ord_i = order[i][:PRE_NMS_TOPN]
        props = proposals[i][ord_i]
        scs = sc_flat[i][ord_i]
        dets = jnp.concatenate([props, scs[:, None]], axis=1)
        keep, count = nms_jax_fixed(dets, NMS_THRESH, POST_NMS_TOPN)
        valid = jnp.arange(POST_NMS_TOPN) < count
        props_k = jnp.where(valid[:, None], props[keep], 0.0)
        col0 = jnp.full((POST_NMS_TOPN, 1), float(i), dtype=jnp.float32)
        rows.append(jnp.concatenate([col0, props_k.astype(jnp.float32)], axis=1))
    output = jnp.stack(rows, axis=0)
    return output

if __name__ == "__main__":
    import jax
    _d = setup_inputs()
    print(jax.jit(kernel)(*tuple(_d.values())))

</pallas_src>

<mosaic_0001>
module attributes {stable_mosaic.version = 14 : i64} {
  func.func @_xform_body(%arg0: i32, %arg1: memref<1x162x128xf32, #tpu.memory_space<vmem>>, %arg2: memref<1x162x128xf32, #tpu.memory_space<vmem>>, %arg3: memref<1x162x128xf32, #tpu.memory_space<vmem>>, %arg4: memref<1x162x128xf32, #tpu.memory_space<vmem>>, %arg5: memref<162x128xf32, #tpu.memory_space<vmem>>, %arg6: memref<162x128xf32, #tpu.memory_space<vmem>>, %arg7: memref<162x128xf32, #tpu.memory_space<vmem>>, %arg8: memref<162x128xf32, #tpu.memory_space<vmem>>, %arg9: memref<1x1x128xf32, #tpu.memory_space<vmem>>, %arg10: memref<1x1x128xf32, #tpu.memory_space<vmem>>, %arg11: memref<1x162x128xf32, #tpu.memory_space<vmem>>, %arg12: memref<1x162x128xf32, #tpu.memory_space<vmem>>, %arg13: memref<1x162x128xf32, #tpu.memory_space<vmem>>, %arg14: memref<1x162x128xf32, #tpu.memory_space<vmem>>) attributes {dimension_semantics = [#tpu.dimension_semantics<arbitrary>], iteration_bounds = array<i64: 4>, scalar_prefetch = 0 : i64, scratch_operands = 0 : i64, tpu.core_type = #tpu.core_type<tc>, window_params = [{transform_indices = @transform_0, window_bounds = array<i64: 1, 162, 128>}, {transform_indices = @transform_1, window_bounds = array<i64: 1, 162, 128>}, {transform_indices = @transform_2, window_bounds = array<i64: 1, 162, 128>}, {transform_indices = @transform_3, window_bounds = array<i64: 1, 162, 128>}, {pipeline_mode = #tpu.pipeline_mode<synchronous>, transform_indices = @transform_4, window_bounds = array<i64: 162, 128>}, {pipeline_mode = #tpu.pipeline_mode<synchronous>, transform_indices = @transform_5, window_bounds = array<i64: 162, 128>}, {pipeline_mode = #tpu.pipeline_mode<synchronous>, transform_indices = @transform_6, window_bounds = array<i64: 162, 128>}, {pipeline_mode = #tpu.pipeline_mode<synchronous>, transform_indices = @transform_7, window_bounds = array<i64: 162, 128>}, {transform_indices = @transform_8, window_bounds = array<i64: 1, 1, 128>}, {transform_indices = @transform_9, window_bounds = array<i64: 1, 1, 128>}, {transform_indices = @transform_10, window_bounds = array<i64: 1, 162, 128>}, {transform_indices = @transform_11, window_bounds = array<i64: 1, 162, 128>}, {transform_indices = @transform_12, window_bounds = array<i64: 1, 162, 128>}, {transform_indices = @transform_13, window_bounds = array<i64: 1, 162, 128>}]} {
    %get3A = arith.constant 0 : index
    %get3A_0 = arith.constant 0 : index
    %get3A_1 = vector.load %arg5[%get3A, %get3A_0] : memref<162x128xf32, #tpu.memory_space<vmem>>, vector<162x128xf32>
    %get3A_2 = arith.constant 0 : index
    %get3A_3 = arith.constant 0 : index
    %get3A_4 = vector.load %arg6[%get3A_2, %get3A_3] : memref<162x128xf32, #tpu.memory_space<vmem>>, vector<162x128xf32>
    %get3A_5 = arith.constant 0 : index
    %get3A_6 = arith.constant 0 : index
    %get3A_7 = arith.constant 0 : index
    %get3A_8 = vector.load %arg1[%get3A_5, %get3A_6, %get3A_7] : memref<1x162x128xf32, #tpu.memory_space<vmem>>, vector<1x162x128xf32>
    %get3A_9 = vector.shape_cast %get3A_8 : vector<1x162x128xf32> to vector<162x128xf32>
    %mul3A = arith.mulf %get3A_9, %get3A_1 : vector<162x128xf32>
    %get3A_10 = arith.constant 0 : index
    %get3A_11 = arith.constant 0 : index
    %get3A_12 = vector.load %arg7[%get3A_10, %get3A_11] : memref<162x128xf32, #tpu.memory_space<vmem>>, vector<162x128xf32>
    %add3A = arith.addf %mul3A, %get3A_12 : vector<162x128xf32>
    %get3A_13 = arith.constant 0 : index
    %get3A_14 = arith.constant 0 : index
    %get3A_15 = arith.constant 0 : index
    %get3A_16 = vector.load %arg2[%get3A_13, %get3A_14, %get3A_15] : memref<1x162x128xf32, #tpu.memory_space<vmem>>, vector<1x162x128xf32>
    %get3A_17 = vector.shape_cast %get3A_16 : vector<1x162x128xf32> to vector<162x128xf32>
    %mul3A_18 = arith.mulf %get3A_17, %get3A_4 : vector<162x128xf32>
    %get3A_19 = arith.constant 0 : index
    %get3A_20 = arith.constant 0 : index
    %get3A_21 = vector.load %arg8[%get3A_19, %get3A_20] : memref<162x128xf32, #tpu.memory_space<vmem>>, vector<162x128xf32>
    %add3A_22 = arith.addf %mul3A_18, %get3A_21 : vector<162x128xf32>
    %get3A_23 = arith.constant 0 : index
    %get3A_24 = arith.constant 0 : index
    %get3A_25 = arith.constant 0 : index
    %get3A_26 = vector.load %arg3[%get3A_23, %get3A_24, %get3A_25] : memref<1x162x128xf32, #tpu.memory_space<vmem>>, vector<1x162x128xf32>
    %get3A_27 = vector.shape_cast %get3A_26 : vector<1x162x128xf32> to vector<162x128xf32>
    %exp3A = math.exp %get3A_27 : vector<162x128xf32>
    %mul3A_28 = arith.mulf %exp3A, %get3A_1 : vector<162x128xf32>
    %get3A_29 = arith.constant 0 : index
    %get3A_30 = arith.constant 0 : index
    %get3A_31 = arith.constant 0 : index
    %get3A_32 = vector.load %arg4[%get3A_29, %get3A_30, %get3A_31] : memref<1x162x128xf32, #tpu.memory_space<vmem>>, vector<1x162x128xf32>
    %get3A_33 = vector.shape_cast %get3A_32 : vector<1x162x128xf32> to vector<162x128xf32>
    %exp3A_34 = math.exp %get3A_33 : vector<162x128xf32>
    %mul3A_35 = arith.mulf %exp3A_34, %get3A_4 : vector<162x128xf32>
    %get3A_36 = arith.constant 0 : index
    %get3A_37 = arith.constant 0 : index
    %get3A_38 = arith.constant 0 : index
    %get3A_39 = vector.load %arg9[%get3A_36, %get3A_37, %get3A_38] : memref<1x1x128xf32, #tpu.memory_space<vmem>>, vector<1x1x128xf32>
    %get3A_40 = vector.shape_cast %get3A_39 : vector<1x1x128xf32> to vector<1x128xf32>
    %get3A_41 = arith.constant 0 : index
    %get3A_42 = arith.constant 0 : index
    %get3A_43 = arith.constant 0 : index
    %get3A_44 = vector.load %arg10[%get3A_41, %get3A_42, %get3A_43] : memref<1x1x128xf32, #tpu.memory_space<vmem>>, vector<1x1x128xf32>
    %get3A_45 = vector.shape_cast %get3A_44 : vector<1x1x128xf32> to vector<1x128xf32>
    %mul3A_46 = arith.constant 5.000000e-01 : f32
    %mul3A_47 = vector.broadcast %mul3A_46 : f32 to vector<162x128xf32>
    %mul3A_48 = arith.mulf %mul3A_47, %mul3A_28 : vector<162x128xf32>
    %sub3A = arith.subf %add3A, %mul3A_48 : vector<162x128xf32>
    %max3A = arith.constant 0.000000e+00 : f32
    %max3A_49 = vector.broadcast %max3A : f32 to vector<162x128xf32>
    %max3A_50 = arith.maximumf %sub3A, %max3A_49 : vector<162x128xf32>
    %min3A = vector.broadcast %get3A_40 : vector<1x128xf32> to vector<162x128xf32>
    %min3A_51 = arith.minimumf %max3A_50, %min3A : vector<162x128xf32>
    %swap3A = arith.constant 0 : index
    %swap3A_52 = arith.constant 0 : index
    %swap3A_53 = arith.constant 0 : index
    %swap3A_54 = vector.load %arg11[%swap3A, %swap3A_52, %swap3A_53] : memref<1x162x128xf32, #tpu.memory_space<vmem>>, vector<1x162x128xf32>
    %swap3A_55 = vector.shape_cast %swap3A_54 : vector<1x162x128xf32> to vector<162x128xf32>
    %swap3A_56 = vector.shape_cast %min3A_51 : vector<162x128xf32> to vector<1x162x128xf32>
    tpu.vector_store %arg11[%swap3A, %swap3A_52, %swap3A_53], %swap3A_56 {strides = array<i32>} : memref<1x162x128xf32, #tpu.memory_space<vmem>>, vector<1x162x128xf32>,
    %mul3A_57 = arith.constant 5.000000e-01 : f32
    %mul3A_58 = vector.broadcast %mul3A_57 : f32 to vector<162x128xf32>
    %mul3A_59 = arith.mulf %mul3A_58, %mul3A_35 : vector<162x128xf32>
    %sub3A_60 = arith.subf %add3A_22, %mul3A_59 : vector<162x128xf32>
    %max3A_61 = arith.constant 0.000000e+00 : f32
    %max3A_62 = vector.broadcast %max3A_61 : f32 to vector<162x128xf32>
    %max3A_63 = arith.maximumf %sub3A_60, %max3A_62 : vector<162x128xf32>
    %min3A_64 = vector.broadcast %get3A_45 : vector<1x128xf32> to vector<162x128xf32>
    %min3A_65 = arith.minimumf %max3A_63, %min3A_64 : vector<162x128xf32>
    %swap3A_66 = arith.constant 0 : index
    %swap3A_67 = arith.constant 0 : index
    %swap3A_68 = arith.constant 0 : index
    %swap3A_69 = vector.load %arg12[%swap3A_66, %swap3A_67, %swap3A_68] : memref<1x162x128xf32, #tpu.memory_space<vmem>>, vector<1x162x128xf32>
    %swap3A_70 = vector.shape_cast %swap3A_69 : vector<1x162x128xf32> to vector<162x128xf32>
    %swap3A_71 = vector.shape_cast %min3A_65 : vector<162x128xf32> to vector<1x162x128xf32>
    tpu.vector_store %arg12[%swap3A_66, %swap3A_67, %swap3A_68], %swap3A_71 {strides = array<i32>} : memref<1x162x128xf32, #tpu.memory_space<vmem>>, vector<1x162x128xf32>,
    %mul3A_72 = arith.constant 5.000000e-01 : f32
    %mul3A_73 = vector.broadcast %mul3A_72 : f32 to vector<162x128xf32>
    %mul3A_74 = arith.mulf %mul3A_73, %mul3A_28 : vector<162x128xf32>
    %add3A_75 = arith.addf %add3A, %mul3A_74 : vector<162x128xf32>
    %max3A_76 = arith.constant 0.000000e+00 : f32
    %max3A_77 = vector.broadcast %max3A_76 : f32 to vector<162x128xf32>
    %max3A_78 = arith.maximumf %add3A_75, %max3A_77 : vector<162x128xf32>
    %min3A_79 = vector.broadcast %get3A_40 : vector<1x128xf32> to vector<162x128xf32>
    %min3A_80 = arith.minimumf %max3A_78, %min3A_79 : vector<162x128xf32>
    %swap3A_81 = arith.constant 0 : index
    %swap3A_82 = arith.constant 0 : index
    %swap3A_83 = arith.constant 0 : index
    %swap3A_84 = vector.load %arg13[%swap3A_81, %swap3A_82, %swap3A_83] : memref<1x162x128xf32, #tpu.memory_space<vmem>>, vector<1x162x128xf32>
    %swap3A_85 = vector.shape_cast %swap3A_84 : vector<1x162x128xf32> to vector<162x128xf32>
    %swap3A_86 = vector.shape_cast %min3A_80 : vector<162x128xf32> to vector<1x162x128xf32>
    tpu.vector_store %arg13[%swap3A_81, %swap3A_82, %swap3A_83], %swap3A_86 {strides = array<i32>} : memref<1x162x128xf32, #tpu.memory_space<vmem>>, vector<1x162x128xf32>,
    %mul3A_87 = arith.constant 5.000000e-01 : f32
    %mul3A_88 = vector.broadcast %mul3A_87 : f32 to vector<162x128xf32>
    %mul3A_89 = arith.mulf %mul3A_88, %mul3A_35 : vector<162x128xf32>
    %add3A_90 = arith.addf %add3A_22, %mul3A_89 : vector<162x128xf32>
    %max3A_91 = arith.constant 0.000000e+00 : f32
    %max3A_92 = vector.broadcast %max3A_91 : f32 to vector<162x128xf32>
    %max3A_93 = arith.maximumf %add3A_90, %max3A_92 : vector<162x128xf32>
    %min3A_94 = vector.broadcast %get3A_45 : vector<1x128xf32> to vector<162x128xf32>
    %min3A_95 = arith.minimumf %max3A_93, %min3A_94 : vector<162x128xf32>
    %swap3A_96 = arith.constant 0 : index
    %swap3A_97 = arith.constant 0 : index
    %swap3A_98 = arith.constant 0 : index
    %swap3A_99 = vector.load %arg14[%swap3A_96, %swap3A_97, %swap3A_98] : memref<1x162x128xf32, #tpu.memory_space<vmem>>, vector<1x162x128xf32>
    %swap3A_100 = vector.shape_cast %swap3A_99 : vector<1x162x128xf32> to vector<162x128xf32>
    %swap3A_101 = vector.shape_cast %min3A_95 : vector<162x128xf32> to vector<1x162x128xf32>
    tpu.vector_store %arg14[%swap3A_96, %swap3A_97, %swap3A_98], %swap3A_101 {strides = array<i32>} : memref<1x162x128xf32, #tpu.memory_space<vmem>>, vector<1x162x128xf32>,
    return
  }
  func.func @transform_0(%arg0: i32) -> (i32, i32, i32) {
    %c0_i32 = arith.constant 0 : i32
    %c0_i32_0 = arith.constant 0 : i32
    %c0_i32_1 = arith.constant 0 : i32
    return %arg0, %c0_i32, %c0_i32_0 : i32, i32, i32
  }
  func.func @transform_1(%arg0: i32) -> (i32, i32, i32) {
    %c0_i32 = arith.constant 0 : i32
    %c0_i32_0 = arith.constant 0 : i32
    %c0_i32_1 = arith.constant 0 : i32
    return %arg0, %c0_i32, %c0_i32_0 : i32, i32, i32
  }
  func.func @transform_2(%arg0: i32) -> (i32, i32, i32) {
    %c0_i32 = arith.constant 0 : i32
    %c0_i32_0 = arith.constant 0 : i32
    %c0_i32_1 = arith.constant 0 : i32
    return %arg0, %c0_i32, %c0_i32_0 : i32, i32, i32
  }
  func.func @transform_3(%arg0: i32) -> (i32, i32, i32) {
    %c0_i32 = arith.constant 0 : i32
    %c0_i32_0 = arith.constant 0 : i32
    %c0_i32_1 = arith.constant 0 : i32
    return %arg0, %c0_i32, %c0_i32_0 : i32, i32, i32
  }
  func.func @transform_4(%arg0: i32) -> (i32, i32) {
    %c0_i32 = arith.constant 0 : i32
    %c0_i32_0 = arith.constant 0 : i32
    %c0_i32_1 = arith.constant 0 : i32
    return %c0_i32, %c0_i32_0 : i32, i32
  }
  func.func @transform_5(%arg0: i32) -> (i32, i32) {
    %c0_i32 = arith.constant 0 : i32
    %c0_i32_0 = arith.constant 0 : i32
    %c0_i32_1 = arith.constant 0 : i32
    return %c0_i32, %c0_i32_0 : i32, i32
  }
  func.func @transform_6(%arg0: i32) -> (i32, i32) {
    %c0_i32 = arith.constant 0 : i32
    %c0_i32_0 = arith.constant 0 : i32
    %c0_i32_1 = arith.constant 0 : i32
    return %c0_i32, %c0_i32_0 : i32, i32
  }
  func.func @transform_7(%arg0: i32) -> (i32, i32) {
    %c0_i32 = arith.constant 0 : i32
    %c0_i32_0 = arith.constant 0 : i32
    %c0_i32_1 = arith.constant 0 : i32
    return %c0_i32, %c0_i32_0 : i32, i32
  }
  func.func @transform_8(%arg0: i32) -> (i32, i32, i32) {
    %c0_i32 = arith.constant 0 : i32
    %c0_i32_0 = arith.constant 0 : i32
    %c0_i32_1 = arith.constant 0 : i32
    return %arg0, %c0_i32, %c0_i32_0 : i32, i32, i32
  }
  func.func @transform_9(%arg0: i32) -> (i32, i32, i32) {
    %c0_i32 = arith.constant 0 : i32
    %c0_i32_0 = arith.constant 0 : i32
    %c0_i32_1 = arith.constant 0 : i32
    return %arg0, %c0_i32, %c0_i32_0 : i32, i32, i32
  }
  func.func @transform_10(%arg0: i32) -> (i32, i32, i32) {
    %c0_i32 = arith.constant 0 : i32
    %c0_i32_0 = arith.constant 0 : i32
    %c0_i32_1 = arith.constant 0 : i32
    return %arg0, %c0_i32, %c0_i32_0 : i32, i32, i32
  }
  func.func @transform_11(%arg0: i32) -> (i32, i32, i32) {
    %c0_i32 = arith.constant 0 : i32
    %c0_i32_0 = arith.constant 0 : i32
    %c0_i32_1 = arith.constant 0 : i32
    return %arg0, %c0_i32, %c0_i32_0 : i32, i32, i32
  }
  func.func @transform_12(%arg0: i32) -> (i32, i32, i32) {
    %c0_i32 = arith.constant 0 : i32
    %c0_i32_0 = arith.constant 0 : i32
    %c0_i32_1 = arith.constant 0 : i32
    return %arg0, %c0_i32, %c0_i32_0 : i32, i32, i32
  }
  func.func @transform_13(%arg0: i32) -> (i32, i32, i32) {
    %c0_i32 = arith.constant 0 : i32
    %c0_i32_0 = arith.constant 0 : i32
    %c0_i32_1 = arith.constant 0 : i32
    return %arg0, %c0_i32, %c0_i32_0 : i32, i32, i32
  }
}

module attributes {stable_mosaic.version = 14 : i64} {
  func.func @_nms_body(%arg0: i32, %arg1: memref<1x94x128xf32, #tpu.memory_space<vmem>>, %arg2: memref<1x94x128xf32, #tpu.memory_space<vmem>>, %arg3: memref<1x94x128xf32, #tpu.memory_space<vmem>>, %arg4: memref<1x94x128xf32, #tpu.memory_space<vmem>>, %arg5: memref<1x12032x4xf32, #tpu.memory_space<vmem>>, %arg6: memref<1x2000x4xf32, #tpu.memory_space<vmem>>, %arg7: memref<2304x4xf32, #tpu.memory_space<vmem>>, %arg8: memref<2304x4xf32, #tpu.memory_space<vmem>>, %arg9: memref<2304x4xf32, #tpu.memory_space<vmem>>, %arg10: memref<2304x4xf32, #tpu.memory_space<vmem>>, %arg11: memref<1xi32, #tpu.memory_space<smem>>) attributes {dimension_semantics = [#tpu.dimension_semantics<arbitrary>], iteration_bounds = array<i64: 4>, scalar_prefetch = 0 : i64, scratch_operands = 5 : i64, tpu.core_type = #tpu.core_type<tc>, window_params = [{transform_indices = @transform_0, window_bounds = array<i64: 1, 94, 128>}, {transform_indices = @transform_1, window_bounds = array<i64: 1, 94, 128>}, {transform_indices = @transform_2, window_bounds = array<i64: 1, 94, 128>}, {transform_indices = @transform_3, window_bounds = array<i64: 1, 94, 128>}, {transform_indices = @transform_4, window_bounds = array<i64: 1, 12032, 4>}, {transform_indices = @transform_5, window_bounds = array<i64: 1, 2000, 4>}]} {
    %iota3A = tpu.iota {dimensions = array<i32: 0>} : vector<128x128xi32>
    %iota3A_0 = tpu.iota {dimensions = array<i32: 1>} : vector<128x128xi32>
    %lt3A = arith.cmpi slt, %iota3A, %iota3A_0 : vector<128x128xi32>
    %iota3A_1 = tpu.iota {dimensions = array<i32: 0>} : vector<128x128xi32>
    %iota3A_2 = tpu.iota {dimensions = array<i32: 1>} : vector<128x128xi32>
    %le3A = arith.cmpi sle, %iota3A_1, %iota3A_2 : vector<128x128xi32>
    %convert_element_type3A = arith.extui %le3A : vector<128x128xi1> to vector<128x128xi32>
    %convert_element_type3A_3 = arith.sitofp %convert_element_type3A : vector<128x128xi32> to vector<128x128xf32>
    %broadcast_in_dim3A = arith.constant 1.000000e+00 : f32
    %broadcast_in_dim3A_4 = vector.broadcast %broadcast_in_dim3A : f32 to vector<1x1024xf32>
    %iota3A_5 = tpu.iota {dimensions = array<i32: 0>} : vector<1024x1xi32>
    %iota3A_6 = tpu.iota {dimensions = array<i32: 0>} : vector<256x1xi32>
    %iota3A_7 = tpu.iota {dimensions = array<i32: 1>} : vector<1x128xi32>
    %swap3A = arith.constant 0 : i32
    %swap3A_8 = arith.constant 0 : index
    %swap3A_9 = memref.load %arg11[%swap3A_8] : memref<1xi32, #tpu.memory_space<smem>>
    memref.store %swap3A, %arg11[%swap3A_8] : memref<1xi32, #tpu.memory_space<smem>>
    %broadcast_in_dim3A_10 = arith.constant 0.000000e+00 : f32
    %broadcast_in_dim3A_11 = vector.broadcast %broadcast_in_dim3A_10 : f32 to vector<2304x4xf32>
    %swap3A_12 = arith.constant 0 : index
    %swap3A_13 = arith.constant 0 : index
    %swap3A_14 = vector.load %arg7[%swap3A_12, %swap3A_13] : memref<2304x4xf32, #tpu.memory_space<vmem>>, vector<2304x4xf32>
    tpu.vector_store %arg7[%swap3A_12, %swap3A_13], %broadcast_in_dim3A_11 {strides = array<i32>} : memref<2304x4xf32, #tpu.memory_space<vmem>>, vector<2304x4xf32>,
    %broadcast_in_dim3A_15 = arith.constant 0.000000e+00 : f32
    %broadcast_in_dim3A_16 = vector.broadcast %broadcast_in_dim3A_15 : f32 to vector<2304x4xf32>
    %swap3A_17 = arith.constant 0 : index
    %swap3A_18 = arith.constant 0 : index
    %swap3A_19 = vector.load %arg8[%swap3A_17, %swap3A_18] : memref<2304x4xf32, #tpu.memory_space<vmem>>, vector<2304x4xf32>
    tpu.vector_store %arg8[%swap3A_17, %swap3A_18], %broadcast_in_dim3A_16 {strides = array<i32>} : memref<2304x4xf32, #tpu.memory_space<vmem>>, vector<2304x4xf32>,
    %broadcast_in_dim3A_20 = arith.constant 0.000000e+00 : f32
    %broadcast_in_dim3A_21 = vector.broadcast %broadcast_in_dim3A_20 : f32 to vector<2304x4xf32>
    %swap3A_22 = arith.constant 0 : index
    %swap3A_23 = arith.constant 0 : index
    %swap3A_24 = vector.load %arg9[%swap3A_22, %swap3A_23] : memref<2304x4xf32, #tpu.memory_space<vmem>>, vector<2304x4xf32>
    tpu.vector_store %arg9[%swap3A_22, %swap3A_23], %broadcast_in_dim3A_21 {strides = array<i32>} : memref<2304x4xf32, #tpu.memory_space<vmem>>, vector<2304x4xf32>,
    %broadcast_in_dim3A_25 = arith.constant 0.000000e+00 : f32
    %broadcast_in_dim3A_26 = vector.broadcast %broadcast_in_dim3A_25 : f32 to vector<2304x4xf32>
    %swap3A_27 = arith.constant 0 : index
    %swap3A_28 = arith.constant 0 : index
    %swap3A_29 = vector.load %arg10[%swap3A_27, %swap3A_28] : memref<2304x4xf32, #tpu.memory_space<vmem>>, vector<2304x4xf32>
    tpu.vector_store %arg10[%swap3A_27, %swap3A_28], %broadcast_in_dim3A_26 {strides = array<i32>} : memref<2304x4xf32, #tpu.memory_space<vmem>>, vector<2304x4xf32>,
    %scan3A = arith.constant 0 : i32
    %scan3A_30 = arith.constant 94 : i32
    %scan3A_31 = arith.addi %scan3A, %scan3A_30 : i32
    %scan3A_32 = arith.constant 1 : i32
    scf.for %scan3A_65 = %scan3A to %scan3A_31 step %scan3A_32  : i32 {
      %get3A_66 = arith.constant 0 : index
      %get3A_67 = memref.load %arg11[%get3A_66] : memref<1xi32, #tpu.memory_space<smem>>
      %lt3A_68 = arith.constant 2000 : i32
      %lt3A_69 = arith.cmpi slt, %get3A_67, %lt3A_68 : i32
      %convert_element_type3A_70 = arith.extui %lt3A_69 : i1 to i32
      %cond3A = arith.constant 0 : i32
      %cond3A_71 = arith.cmpi ne, %convert_element_type3A_70, %cond3A : i32
      scf.if %cond3A_71 {
        %get3A_72 = arith.constant 0 : index
        %get3A_73 = memref.load %arg11[%get3A_72] : memref<1xi32, #tpu.memory_space<smem>>
        %get3A_74 = arith.constant 0 : index
        %get3A_75 = arith.index_cast %scan3A_65 : i32 to index
        %get3A_76 = arith.constant 0 : index
        %get3A_77 = vector.load %arg1[%get3A_74, %get3A_75, %get3A_76] : memref<1x94x128xf32, #tpu.memory_space<vmem>>, vector<1x1x128xf32>
        %get3A_78 = vector.shape_cast %get3A_77 : vector<1x1x128xf32> to vector<1x128xf32>
        %get3A_79 = arith.constant 0 : index
        %get3A_80 = arith.index_cast %scan3A_65 : i32 to index
        %get3A_81 = arith.constant 0 : index
        %get3A_82 = vector.load %arg2[%get3A_79, %get3A_80, %get3A_81] : memref<1x94x128xf32, #tpu.memory_space<vmem>>, vector<1x1x128xf32>
        %get3A_83 = vector.shape_cast %get3A_82 : vector<1x1x128xf32> to vector<1x128xf32>
        %get3A_84 = arith.constant 0 : index
        %get3A_85 = arith.index_cast %scan3A_65 : i32 to index
        %get3A_86 = arith.constant 0 : index
        %get3A_87 = vector.load %arg3[%get3A_84, %get3A_85, %get3A_86] : memref<1x94x128xf32, #tpu.memory_space<vmem>>, vector<1x1x128xf32>
        %get3A_88 = vector.shape_cast %get3A_87 : vector<1x1x128xf32> to vector<1x128xf32>
        %get3A_89 = arith.constant 0 : index
        %get3A_90 = arith.index_cast %scan3A_65 : i32 to index
        %get3A_91 = arith.constant 0 : index
        %get3A_92 = vector.load %arg4[%get3A_89, %get3A_90, %get3A_91] : memref<1x94x128xf32, #tpu.memory_space<vmem>>, vector<1x1x128xf32>
        %get3A_93 = vector.shape_cast %get3A_92 : vector<1x1x128xf32> to vector<1x128xf32>
        %sub3A = arith.subf %get3A_88, %get3A_78 : vector<1x128xf32>
        %add3A_94 = arith.constant 1.000000e+00 : f32
        %add3A_95 = vector.broadcast %add3A_94 : f32 to vector<1x128xf32>
        %add3A_96 = arith.addf %sub3A, %add3A_95 : vector<1x128xf32>
        %sub3A_97 = arith.subf %get3A_93, %get3A_83 : vector<1x128xf32>
        %add3A_98 = arith.constant 1.000000e+00 : f32
        %add3A_99 = vector.broadcast %add3A_98 : f32 to vector<1x128xf32>
        %add3A_100 = arith.addf %sub3A_97, %add3A_99 : vector<1x128xf32>
        %mul3A_101 = arith.mulf %add3A_96, %add3A_100 : vector<1x128xf32>
        %add3A_102 = arith.constant 1024 : i32
        %add3A_103 = arith.addi %get3A_73, %add3A_102 : i32
        %sub3A_104 = arith.constant 1 : i32
        %sub3A_105 = arith.subi %add3A_103, %sub3A_104 : i32
        %jit3A = arith.constant 1024 : i32
        %div3A = arith.divsi %sub3A_105, %jit3A : i32
        %sign3A = arith.constant 0 : i32
        %sign3A_106 = arith.cmpi sgt, %sub3A_105, %sign3A : i32
        %sign3A_107 = arith.extui %sign3A_106 : i1 to i32
        %sign3A_108 = arith.constant 0 : i32
        %sign3A_109 = arith.cmpi slt, %sub3A_105, %sign3A_108 : i32
        %sign3A_110 = arith.extui %sign3A_109 : i1 to i32
        %sign3A_111 = arith.subi %sign3A_107, %sign3A_110 : i32
        %sign3A_112 = arith.constant 0 : i32
        %sign3A_113 = arith.cmpi sgt, %jit3A, %sign3A_112 : i32
        %sign3A_114 = arith.extui %sign3A_113 : i1 to i32
        %sign3A_115 = arith.constant 0 : i32
        %sign3A_116 = arith.cmpi slt, %jit3A, %sign3A_115 : i32
        %sign3A_117 = arith.extui %sign3A_116 : i1 to i32
        %sign3A_118 = arith.subi %sign3A_114, %sign3A_117 : i32
        %ne3A = arith.cmpi ne, %sign3A_111, %sign3A_118 : i32
        %rem3A = arith.remsi %sub3A_105, %jit3A : i32
        %ne3A_119 = arith.constant 0 : i32
        %ne3A_120 = arith.cmpi ne, %rem3A, %ne3A_119 : i32
        %and3A = arith.andi %ne3A, %ne3A_120 : i1
        %sub3A_121 = arith.constant 1 : i32
        %sub3A_122 = arith.subi %div3A, %sub3A_121 : i32
        %select_n3A = arith.select %and3A, %sub3A_122, %div3A : i32
        %broadcast_in_dim3A_123 = arith.constant 0.000000e+00 : f32
        %broadcast_in_dim3A_124 = vector.broadcast %broadcast_in_dim3A_123 : f32 to vector<1x128xf32>
        %while3A = arith.constant 0 : i32
        %while3A_125 = arith.subi %select_n3A, %while3A : i32
        %while3A_126 = arith.addi %while3A, %while3A_125 : i32
        %while3A_127 = arith.constant 1 : i32
        %while3A_128 = arith.divsi %while3A_125, %while3A_127 : i32
        %while3A_129 = arith.muli %while3A_128, %while3A_127 : i32
        %while3A_130 = arith.addi %while3A, %while3A_129 : i32
        %while3A_131 = arith.constant 1 : i32
        %while3A_132 = scf.for %while3A_234 = %while3A to %while3A_130 step %while3A_131 iter_args(%while3A_235 = %broadcast_in_dim3A_124) -> (vector<1x128xf32>)  : i32 {
          %mul3A_236 = arith.constant 1024 : i32
          %mul3A_237 = arith.muli %while3A_234, %mul3A_236 : i32
          %get3A_238 = arith.index_cast %mul3A_237 : i32 to index
          %get3A_239 = arith.constant 0 : index
          %get3A_240 = vector.load %arg7[%get3A_238, %get3A_239] : memref<2304x4xf32, #tpu.memory_space<vmem>>, vector<1024x4xf32>
          %convert_element_type3A_241 = arith.fptosi %get3A_240 : vector<1024x4xf32> to vector<1024x4xi32>
          %mul3A_242 = arith.constant 1024 : i32
          %mul3A_243 = arith.muli %while3A_234, %mul3A_242 : i32
          %get3A_244 = arith.index_cast %mul3A_243 : i32 to index
          %get3A_245 = arith.constant 0 : index
          %get3A_246 = vector.load %arg8[%get3A_244, %get3A_245] : memref<2304x4xf32, #tpu.memory_space<vmem>>, vector<1024x4xf32>
          %convert_element_type3A_247 = arith.fptosi %get3A_246 : vector<1024x4xf32> to vector<1024x4xi32>
          %mul3A_248 = arith.constant 1024 : i32
          %mul3A_249 = arith.muli %while3A_234, %mul3A_248 : i32
          %get3A_250 = arith.index_cast %mul3A_249 : i32 to index
          %get3A_251 = arith.constant 0 : index
          %get3A_252 = vector.load %arg9[%get3A_250, %get3A_251] : memref<2304x4xf32, #tpu.memory_space<vmem>>, vector<1024x4xf32>
          %convert_element_type3A_253 = arith.fptosi %get3A_252 : vector<1024x4xf32> to vector<1024x4xi32>
          %mul3A_254 = arith.constant 1024 : i32
          %mul3A_255 = arith.muli %while3A_234, %mul3A_254 : i32
          %get3A_256 = arith.index_cast %mul3A_255 : i32 to index
          %get3A_257 = arith.constant 0 : index
          %get3A_258 = vector.load %arg10[%get3A_256, %get3A_257] : memref<2304x4xf32, #tpu.memory_space<vmem>>, vector<1024x4xf32>
          %convert_element_type3A_259 = arith.fptosi %get3A_258 : vector<1024x4xf32> to vector<1024x4xi32>
          %mul3A_260 = arith.constant 256 : i32
          %mul3A_261 = vector.broadcast %mul3A_260 : i32 to vector<1024x4xi32>
          %mul3A_262 = arith.muli %convert_element_type3A_259, %mul3A_261 : vector<1024x4xi32>
          %add3A_263 = arith.addi %mul3A_262, %convert_element_type3A_253 : vector<1024x4xi32>
          %mul3A_264 = arith.constant 256 : i32
          %mul3A_265 = vector.broadcast %mul3A_264 : i32 to vector<1024x4xi32>
          %mul3A_266 = arith.muli %add3A_263, %mul3A_265 : vector<1024x4xi32>
          %add3A_267 = arith.addi %mul3A_266, %convert_element_type3A_247 : vector<1024x4xi32>
          %mul3A_268 = arith.constant 256 : i32
          %mul3A_269 = vector.broadcast %mul3A_268 : i32 to vector<1024x4xi32>
          %mul3A_270 = arith.muli %add3A_267, %mul3A_269 : vector<1024x4xi32>
          %add3A_271 = arith.addi %mul3A_270, %convert_element_type3A_241 : vector<1024x4xi32>
          %bitcast_convert_type3A_272 = tpu.bitcast %add3A_271 : vector<1024x4xi32> -> vector<1024x4xf32>
          %slice3A = vector.extract_strided_slice %bitcast_convert_type3A_272 {offsets = [0, 0], sizes = [1024, 1], strides = [1, 1]} : vector<1024x4xf32> to vector<1024x1xf32>
          %slice3A_273 = vector.extract_strided_slice %bitcast_convert_type3A_272 {offsets = [0, 1], sizes = [1024, 1], strides = [1, 1]} : vector<1024x4xf32> to vector<1024x1xf32>
          %slice3A_274 = vector.extract_strided_slice %bitcast_convert_type3A_272 {offsets = [0, 2], sizes = [1024, 1], strides = [1, 1]} : vector<1024x4xf32> to vector<1024x1xf32>
          %slice3A_275 = vector.extract_strided_slice %bitcast_convert_type3A_272 {offsets = [0, 3], sizes = [1024, 1], strides = [1, 1]} : vector<1024x4xf32> to vector<1024x1xf32>
          %sub3A_276 = arith.subf %slice3A_274, %slice3A : vector<1024x1xf32>
          %add3A_277 = arith.constant 1.000000e+00 : f32
          %add3A_278 = vector.broadcast %add3A_277 : f32 to vector<1024x1xf32>
          %add3A_279 = arith.addf %sub3A_276, %add3A_278 : vector<1024x1xf32>
          %sub3A_280 = arith.subf %slice3A_275, %slice3A_273 : vector<1024x1xf32>
          %add3A_281 = arith.constant 1.000000e+00 : f32
          %add3A_282 = vector.broadcast %add3A_281 : f32 to vector<1024x1xf32>
          %add3A_283 = arith.addf %sub3A_280, %add3A_282 : vector<1024x1xf32>
          %mul3A_284 = arith.mulf %add3A_279, %add3A_283 : vector<1024x1xf32>
          %mul3A_285 = arith.constant 1024 : i32
          %mul3A_286 = arith.muli %while3A_234, %mul3A_285 : i32
          %add3A_287 = vector.broadcast %mul3A_286 : i32 to vector<1024x1xi32>
          %add3A_288 = arith.addi %add3A_287, %iota3A_5 : vector<1024x1xi32>
          %lt3A_289 = vector.broadcast %get3A_73 : i32 to vector<1024x1xi32>
          %lt3A_290 = arith.cmpi slt, %add3A_288, %lt3A_289 : vector<1024x1xi32>
          %max3A_291 = vector.broadcast %slice3A : vector<1024x1xf32> to vector<1024x128xf32>
          %max3A_292 = vector.broadcast %get3A_78 : vector<1x128xf32> to vector<1024x128xf32>
          %max3A_293 = arith.maximumf %max3A_291, %max3A_292 : vector<1024x128xf32>
          %max3A_294 = vector.broadcast %slice3A_273 : vector<1024x1xf32> to vector<1024x128xf32>
          %max3A_295 = vector.broadcast %get3A_83 : vector<1x128xf32> to vector<1024x128xf32>
          %max3A_296 = arith.maximumf %max3A_294, %max3A_295 : vector<1024x128xf32>
          %min3A_297 = vector.broadcast %slice3A_274 : vector<1024x1xf32> to vector<1024x128xf32>
          %min3A_298 = vector.broadcast %get3A_88 : vector<1x128xf32> to vector<1024x128xf32>
          %min3A_299 = arith.minimumf %min3A_297, %min3A_298 : vector<1024x128xf32>
          %min3A_300 = vector.broadcast %slice3A_275 : vector<1024x1xf32> to vector<1024x128xf32>
          %min3A_301 = vector.broadcast %get3A_93 : vector<1x128xf32> to vector<1024x128xf32>
          %min3A_302 = arith.minimumf %min3A_300, %min3A_301 : vector<1024x128xf32>
          %sub3A_303 = arith.subf %min3A_299, %max3A_293 : vector<1024x128xf32>
          %add3A_304 = arith.constant 1.000000e+00 : f32
          %add3A_305 = vector.broadcast %add3A_304 : f32 to vector<1024x128xf32>
          %add3A_306 = arith.addf %sub3A_303, %add3A_305 : vector<1024x128xf32>
          %max3A_307 = arith.constant 0.000000e+00 : f32
          %max3A_308 = vector.broadcast %max3A_307 : f32 to vector<1024x128xf32>
          %max3A_309 = arith.maximumf %max3A_308, %add3A_306 : vector<1024x128xf32>
          %sub3A_310 = arith.subf %min3A_302, %max3A_296 : vector<1024x128xf32>
          %add3A_311 = arith.constant 1.000000e+00 : f32
          %add3A_312 = vector.broadcast %add3A_311 : f32 to vector<1024x128xf32>
          %add3A_313 = arith.addf %sub3A_310, %add3A_312 : vector<1024x128xf32>
          %max3A_314 = arith.constant 0.000000e+00 : f32
          %max3A_315 = vector.broadcast %max3A_314 : f32 to vector<1024x128xf32>
          %max3A_316 = arith.maximumf %max3A_315, %add3A_313 : vector<1024x128xf32>
          %mul3A_317 = arith.mulf %max3A_309, %max3A_316 : vector<1024x128xf32>
          %add3A_318 = vector.broadcast %mul3A_284 : vector<1024x1xf32> to vector<1024x128xf32>
          %add3A_319 = vector.broadcast %mul3A_101 : vector<1x128xf32> to vector<1024x128xf32>
          %add3A_320 = arith.addf %add3A_318, %add3A_319 : vector<1024x128xf32>
          %sub3A_321 = arith.subf %add3A_320, %mul3A_317 : vector<1024x128xf32>
          %div3A_322 = arith.divf %mul3A_317, %sub3A_321 : vector<1024x128xf32>
          %gt3A_323 = arith.constant 0.699999988 : f32
          %gt3A_324 = vector.broadcast %gt3A_323 : f32 to vector<1024x128xf32>
          %gt3A_325 = arith.cmpf ogt, %div3A_322, %gt3A_324 : vector<1024x128xf32>
          %and3A_326 = vector.broadcast %lt3A_290 : vector<1024x1xi1> to vector<1024x128xi1>
          %and3A_327 = arith.andi %gt3A_325, %and3A_326 : vector<1024x128xi1>
          %convert_element_type3A_328 = arith.extui %and3A_327 : vector<1024x128xi1> to vector<1024x128xi32>
          %convert_element_type3A_329 = arith.sitofp %convert_element_type3A_328 : vector<1024x128xi32> to vector<1024x128xf32>
          %dot_general3A = arith.constant dense<0.000000e+00> : vector<1x128xf32>
          %dot_general3A_330 = tpu.matmul %broadcast_in_dim3A_4, %convert_element_type3A_329, %dot_general3A {dimension_numbers = #tpu.dot_dimension_numbers<[1], [0], [0], [1], [0, 0, 1, 1], [], []>, transpose_lhs_hint = false} : vector<1x1024xf32>, vector<1024x128xf32>, vector<1x128xf32> -> vector<1x128xf32>
          %add3A_331 = arith.addf %while3A_235, %dot_general3A_330 : vector<1x128xf32>
          scf.yield %add3A_331 : vector<1x128xf32>
        }
        %while3A_133 = arith.constant 1 : i32
        %while3A_134 = scf.for %while3A_234 = %while3A_130 to %while3A_126 step %while3A_133 iter_args(%while3A_235 = %while3A_132) -> (vector<1x128xf32>)  : i32 {
          %mul3A_236 = arith.constant 1024 : i32
          %mul3A_237 = arith.muli %while3A_234, %mul3A_236 : i32
          %get3A_238 = arith.index_cast %mul3A_237 : i32 to index
          %get3A_239 = arith.constant 0 : index
          %get3A_240 = vector.load %arg7[%get3A_238, %get3A_239] : memref<2304x4xf32, #tpu.memory_space<vmem>>, vector<1024x4xf32>
          %convert_element_type3A_241 = arith.fptosi %get3A_240 : vector<1024x4xf32> to vector<1024x4xi32>
          %mul3A_242 = arith.constant 1024 : i32
          %mul3A_243 = arith.muli %while3A_234, %mul3A_242 : i32
          %get3A_244 = arith.index_cast %mul3A_243 : i32 to index
          %get3A_245 = arith.constant 0 : index
          %get3A_246 = vector.load %arg8[%get3A_244, %get3A_245] : memref<2304x4xf32, #tpu.memory_space<vmem>>, vector<1024x4xf32>
          %convert_element_type3A_247 = arith.fptosi %get3A_246 : vector<1024x4xf32> to vector<1024x4xi32>
          %mul3A_248 = arith.constant 1024 : i32
          %mul3A_249 = arith.muli %while3A_234, %mul3A_248 : i32
          %get3A_250 = arith.index_cast %mul3A_249 : i32 to index
          %get3A_251 = arith.constant 0 : index
          %get3A_252 = vector.load %arg9[%get3A_250, %get3A_251] : memref<2304x4xf32, #tpu.memory_space<vmem>>, vector<1024x4xf32>
          %convert_element_type3A_253 = arith.fptosi %get3A_252 : vector<1024x4xf32> to vector<1024x4xi32>
          %mul3A_254 = arith.constant 1024 : i32
          %mul3A_255 = arith.muli %while3A_234, %mul3A_254 : i32
          %get3A_256 = arith.index_cast %mul3A_255 : i32 to index
          %get3A_257 = arith.constant 0 : index
          %get3A_258 = vector.load %arg10[%get3A_256, %get3A_257] : memref<2304x4xf32, #tpu.memory_space<vmem>>, vector<1024x4xf32>
          %convert_element_type3A_259 = arith.fptosi %get3A_258 : vector<1024x4xf32> to vector<1024x4xi32>
          %mul3A_260 = arith.constant 256 : i32
          %mul3A_261 = vector.broadcast %mul3A_260 : i32 to vector<1024x4xi32>
          %mul3A_262 = arith.muli %convert_element_type3A_259, %mul3A_261 : vector<1024x4xi32>
          %add3A_263 = arith.addi %mul3A_262, %convert_element_type3A_253 : vector<1024x4xi32>
          %mul3A_264 = arith.constant 256 : i32
          %mul3A_265 = vector.broadcast %mul3A_264 : i32 to vector<1024x4xi32>
          %mul3A_266 = arith.muli %add3A_263, %mul3A_265 : vector<1024x4xi32>
          %add3A_267 = arith.addi %mul3A_266, %convert_element_type3A_247 : vector<1024x4xi32>
          %mul3A_268 = arith.constant 256 : i32
          %mul3A_269 = vector.broadcast %mul3A_268 : i32 to vector<1024x4xi32>
          %mul3A_270 = arith.muli %add3A_267, %mul3A_269 : vector<1024x4xi32>
          %add3A_271 = arith.addi %mul3A_270, %convert_element_type3A_241 : vector<1024x4xi32>
          %bitcast_convert_type3A_272 = tpu.bitcast %add3A_271 : vector<1024x4xi32> -> vector<1024x4xf32>
          %slice3A = vector.extract_strided_slice %bitcast_convert_type3A_272 {offsets = [0, 0], sizes = [1024, 1], strides = [1, 1]} : vector<1024x4xf32> to vector<1024x1xf32>
          %slice3A_273 = vector.extract_strided_slice %bitcast_convert_type3A_272 {offsets = [0, 1], sizes = [1024, 1], strides = [1, 1]} : vector<1024x4xf32> to vector<1024x1xf32>
          %slice3A_274 = vector.extract_strided_slice %bitcast_convert_type3A_272 {offsets = [0, 2], sizes = [1024, 1], strides = [1, 1]} : vector<1024x4xf32> to vector<1024x1xf32>
          %slice3A_275 = vector.extract_strided_slice %bitcast_convert_type3A_272 {offsets = [0, 3], sizes = [1024, 1], strides = [1, 1]} : vector<1024x4xf32> to vector<1024x1xf32>
          %sub3A_276 = arith.subf %slice3A_274, %slice3A : vector<1024x1xf32>
          %add3A_277 = arith.constant 1.000000e+00 : f32
          %add3A_278 = vector.broadcast %add3A_277 : f32 to vector<1024x1xf32>
          %add3A_279 = arith.addf %sub3A_276, %add3A_278 : vector<1024x1xf32>
          %sub3A_280 = arith.subf %slice3A_275, %slice3A_273 : vector<1024x1xf32>
          %add3A_281 = arith.constant 1.000000e+00 : f32
          %add3A_282 = vector.broadcast %add3A_281 : f32 to vector<1024x1xf32>
          %add3A_283 = arith.addf %sub3A_280, %add3A_282 : vector<1024x1xf32>
          %mul3A_284 = arith.mulf %add3A_279, %add3A_283 : vector<1024x1xf32>
          %mul3A_285 = arith.constant 1024 : i32
          %mul3A_286 = arith.muli %while3A_234, %mul3A_285 : i32
          %add3A_287 = vector.broadcast %mul3A_286 : i32 to vector<1024x1xi32>
          %add3A_288 = arith.addi %add3A_287, %iota3A_5 : vector<1024x1xi32>
          %lt3A_289 = vector.broadcast %get3A_73 : i32 to vector<1024x1xi32>
          %lt3A_290 = arith.cmpi slt, %add3A_288, %lt3A_289 : vector<1024x1xi32>
          %max3A_291 = vector.broadcast %slice3A : vector<1024x1xf32> to vector<1024x128xf32>
          %max3A_292 = vector.broadcast %get3A_78 : vector<1x128xf32> to vector<1024x128xf32>
          %max3A_293 = arith.maximumf %max3A_291, %max3A_292 : vector<1024x128xf32>
          %max3A_294 = vector.broadcast %slice3A_273 : vector<1024x1xf32> to vector<1024x128xf32>
          %max3A_295 = vector.broadcast %get3A_83 : vector<1x128xf32> to vector<1024x128xf32>
          %max3A_296 = arith.maximumf %max3A_294, %max3A_295 : vector<1024x128xf32>
          %min3A_297 = vector.broadcast %slice3A_274 : vector<1024x1xf32> to vector<1024x128xf32>
          %min3A_298 = vector.broadcast %get3A_88 : vector<1x128xf32> to vector<1024x128xf32>
          %min3A_299 = arith.minimumf %min3A_297, %min3A_298 : vector<1024x128xf32>
          %min3A_300 = vector.broadcast %slice3A_275 : vector<1024x1xf32> to vector<1024x128xf32>
          %min3A_301 = vector.broadcast %get3A_93 : vector<1x128xf32> to vector<1024x128xf32>
          %min3A_302 = arith.minimumf %min3A_300, %min3A_301 : vector<1024x128xf32>
          %sub3A_303 = arith.subf %min3A_299, %max3A_293 : vector<1024x128xf32>
          %add3A_304 = arith.constant 1.000000e+00 : f32
          %add3A_305 = vector.broadcast %add3A_304 : f32 to vector<1024x128xf32>
          %add3A_306 = arith.addf %sub3A_303, %add3A_305 : vector<1024x128xf32>
          %max3A_307 = arith.constant 0.000000e+00 : f32
          %max3A_308 = vector.broadcast %max3A_307 : f32 to vector<1024x128xf32>
          %max3A_309 = arith.maximumf %max3A_308, %add3A_306 : vector<1024x128xf32>
          %sub3A_310 = arith.subf %min3A_302, %max3A_296 : vector<1024x128xf32>
          %add3A_311 = arith.constant 1.000000e+00 : f32
          %add3A_312 = vector.broadcast %add3A_311 : f32 to vector<1024x128xf32>
          %add3A_313 = arith.addf %sub3A_310, %add3A_312 : vector<1024x128xf32>
          %max3A_314 = arith.constant 0.000000e+00 : f32
          %max3A_315 = vector.broadcast %max3A_314 : f32 to vector<1024x128xf32>
          %max3A_316 = arith.maximumf %max3A_315, %add3A_313 : vector<1024x128xf32>
          %mul3A_317 = arith.mulf %max3A_309, %max3A_316 : vector<1024x128xf32>
          %add3A_318 = vector.broadcast %mul3A_284 : vector<1024x1xf32> to vector<1024x128xf32>
          %add3A_319 = vector.broadcast %mul3A_101 : vector<1x128xf32> to vector<1024x128xf32>
          %add3A_320 = arith.addf %add3A_318, %add3A_319 : vector<1024x128xf32>
          %sub3A_321 = arith.subf %add3A_320, %mul3A_317 : vector<1024x128xf32>
          %div3A_322 = arith.divf %mul3A_317, %sub3A_321 : vector<1024x128xf32>
          %gt3A_323 = arith.constant 0.699999988 : f32
          %gt3A_324 = vector.broadcast %gt3A_323 : f32 to vector<1024x128xf32>
          %gt3A_325 = arith.cmpf ogt, %div3A_322, %gt3A_324 : vector<1024x128xf32>
          %and3A_326 = vector.broadcast %lt3A_290 : vector<1024x1xi1> to vector<1024x128xi1>
          %and3A_327 = arith.andi %gt3A_325, %and3A_326 : vector<1024x128xi1>
          %convert_element_type3A_328 = arith.extui %and3A_327 : vector<1024x128xi1> to vector<1024x128xi32>
          %convert_element_type3A_329 = arith.sitofp %convert_element_type3A_328 : vector<1024x128xi32> to vector<1024x128xf32>
          %dot_general3A = arith.constant dense<0.000000e+00> : vector<1x128xf32>
          %dot_general3A_330 = tpu.matmul %broadcast_in_dim3A_4, %convert_element_type3A_329, %dot_general3A {dimension_numbers = #tpu.dot_dimension_numbers<[1], [0], [0], [1], [0, 0, 1, 1], [], []>, transpose_lhs_hint = false} : vector<1x1024xf32>, vector<1024x128xf32>, vector<1x128xf32> -> vector<1x128xf32>
          %add3A_331 = arith.addf %while3A_235, %dot_general3A_330 : vector<1x128xf32>
          scf.yield %add3A_331 : vector<1x128xf32>
        }
        %mul3A_135 = arith.constant 128 : i32
        %mul3A_136 = arith.muli %scan3A_65, %mul3A_135 : i32
        %add3A_137 = vector.broadcast %mul3A_136 : i32 to vector<1x128xi32>
        %add3A_138 = arith.addi %add3A_137, %iota3A_7 : vector<1x128xi32>
        %lt3A_139 = arith.constant 12000 : i32
        %lt3A_140 = vector.broadcast %lt3A_139 : i32 to vector<1x128xi32>
        %lt3A_141 = arith.cmpi slt, %add3A_138, %lt3A_140 : vector<1x128xi32>
        %convert_element_type3A_142 = arith.extui %lt3A_141 : vector<1x128xi1> to vector<1x128xi32>
        %convert_element_type3A_143 = arith.sitofp %convert_element_type3A_142 : vector<1x128xi32> to vector<1x128xf32>
        %lt3A_144 = arith.constant 5.000000e-01 : f32
        %lt3A_145 = vector.broadcast %lt3A_144 : f32 to vector<1x128xf32>
        %lt3A_146 = arith.cmpf olt, %while3A_134, %lt3A_145 : vector<1x128xf32>
        %convert_element_type3A_147 = arith.extui %lt3A_146 : vector<1x128xi1> to vector<1x128xi32>
        %convert_element_type3A_148 = arith.sitofp %convert_element_type3A_147 : vector<1x128xi32> to vector<1x128xf32>
        %mul3A_149 = arith.mulf %convert_element_type3A_143, %convert_element_type3A_148 : vector<1x128xf32>
        %mul3A_150 = arith.constant 128 : i32
        %mul3A_151 = arith.muli %scan3A_65, %mul3A_150 : i32
        %get3A_152 = arith.constant 0 : index
        %get3A_153 = arith.index_cast %mul3A_151 : i32 to index
        %get3A_154 = arith.constant 0 : index
        %get3A_155 = vector.load %arg5[%get3A_152, %get3A_153, %get3A_154] : memref<1x12032x4xf32, #tpu.memory_space<vmem>>, vector<1x128x1xf32>
        %get3A_156 = vector.shape_cast %get3A_155 : vector<1x128x1xf32> to vector<128x1xf32>
        %mul3A_157 = arith.constant 128 : i32
        %mul3A_158 = arith.muli %scan3A_65, %mul3A_157 : i32
        %get3A_159 = arith.constant 0 : index
        %get3A_160 = arith.index_cast %mul3A_158 : i32 to index
        %get3A_161 = arith.constant 1 : index
        %get3A_162 = vector.load %arg5[%get3A_159, %get3A_160, %get3A_161] : memref<1x12032x4xf32, #tpu.memory_space<vmem>>, vector<1x128x1xf32>
        %get3A_163 = vector.shape_cast %get3A_162 : vector<1x128x1xf32> to vector<128x1xf32>
        %mul3A_164 = arith.constant 128 : i32
        %mul3A_165 = arith.muli %scan3A_65, %mul3A_164 : i32
        %get3A_166 = arith.constant 0 : index
        %get3A_167 = arith.index_cast %mul3A_165 : i32 to index
        %get3A_168 = arith.constant 2 : index
        %get3A_169 = vector.load %arg5[%get3A_166, %get3A_167, %get3A_168] : memref<1x12032x4xf32, #tpu.memory_space<vmem>>, vector<1x128x1xf32>
        %get3A_170 = vector.shape_cast %get3A_169 : vector<1x128x1xf32> to vector<128x1xf32>
        %mul3A_171 = arith.constant 128 : i32
        %mul3A_172 = arith.muli %scan3A_65, %mul3A_171 : i32
        %get3A_173 = arith.constant 0 : index
        %get3A_174 = arith.index_cast %mul3A_172 : i32 to index
        %get3A_175 = arith.constant 3 : index
        %get3A_176 = vector.load %arg5[%get3A_173, %get3A_174, %get3A_175] : memref<1x12032x4xf32, #tpu.memory_space<vmem>>, vector<1x128x1xf32>
        %get3A_177 = vector.shape_cast %get3A_176 : vector<1x128x1xf32> to vector<128x1xf32>
        %sub3A_178 = arith.subf %get3A_170, %get3A_156 : vector<128x1xf32>
        %add3A_179 = arith.constant 1.000000e+00 : f32
        %add3A_180 = vector.broadcast %add3A_179 : f32 to vector<128x1xf32>
        %add3A_181 = arith.addf %sub3A_178, %add3A_180 : vector<128x1xf32>
        %sub3A_182 = arith.subf %get3A_177, %get3A_163 : vector<128x1xf32>
        %add3A_183 = arith.constant 1.000000e+00 : f32
        %add3A_184 = vector.broadcast %add3A_183 : f32 to vector<128x1xf32>
        %add3A_185 = arith.addf %sub3A_182, %add3A_184 : vector<128x1xf32>
        %mul3A_186 = arith.mulf %add3A_181, %add3A_185 : vector<128x1xf32>
        %max3A = vector.broadcast %get3A_156 : vector<128x1xf32> to vector<128x128xf32>
        %max3A_187 = vector.broadcast %get3A_78 : vector<1x128xf32> to vector<128x128xf32>
        %max3A_188 = arith.maximumf %max3A, %max3A_187 : vector<128x128xf32>
        %max3A_189 = vector.broadcast %get3A_163 : vector<128x1xf32> to vector<128x128xf32>
        %max3A_190 = vector.broadcast %get3A_83 : vector<1x128xf32> to vector<128x128xf32>
        %max3A_191 = arith.maximumf %max3A_189, %max3A_190 : vector<128x128xf32>
        %min3A = vector.broadcast %get3A_170 : vector<128x1xf32> to vector<128x128xf32>
        %min3A_192 = vector.broadcast %get3A_88 : vector<1x128xf32> to vector<128x128xf32>
        %min3A_193 = arith.minimumf %min3A, %min3A_192 : vector<128x128xf32>
        %min3A_194 = vector.broadcast %get3A_177 : vector<128x1xf32> to vector<128x128xf32>
        %min3A_195 = vector.broadcast %get3A_93 : vector<1x128xf32> to vector<128x128xf32>
        %min3A_196 = arith.minimumf %min3A_194, %min3A_195 : vector<128x128xf32>
        %sub3A_197 = arith.subf %min3A_193, %max3A_188 : vector<128x128xf32>
        %add3A_198 = arith.constant 1.000000e+00 : f32
        %add3A_199 = vector.broadcast %add3A_198 : f32 to vector<128x128xf32>
        %add3A_200 = arith.addf %sub3A_197, %add3A_199 : vector<128x128xf32>
        %max3A_201 = arith.constant 0.000000e+00 : f32
        %max3A_202 = vector.broadcast %max3A_201 : f32 to vector<128x128xf32>
        %max3A_203 = arith.maximumf %max3A_202, %add3A_200 : vector<128x128xf32>
        %sub3A_204 = arith.subf %min3A_196, %max3A_191 : vector<128x128xf32>
        %add3A_205 = arith.constant 1.000000e+00 : f32
        %add3A_206 = vector.broadcast %add3A_205 : f32 to vector<128x128xf32>
        %add3A_207 = arith.addf %sub3A_204, %add3A_206 : vector<128x128xf32>
        %max3A_208 = arith.constant 0.000000e+00 : f32
        %max3A_209 = vector.broadcast %max3A_208 : f32 to vector<128x128xf32>
        %max3A_210 = arith.maximumf %max3A_209, %add3A_207 : vector<128x128xf32>
        %mul3A_211 = arith.mulf %max3A_203, %max3A_210 : vector<128x128xf32>
        %add3A_212 = vector.broadcast %mul3A_186 : vector<128x1xf32> to vector<128x128xf32>
        %add3A_213 = vector.broadcast %mul3A_101 : vector<1x128xf32> to vector<128x128xf32>
        %add3A_214 = arith.addf %add3A_212, %add3A_213 : vector<128x128xf32>
        %sub3A_215 = arith.subf %add3A_214, %mul3A_211 : vector<128x128xf32>
        %div3A_216 = arith.divf %mul3A_211, %sub3A_215 : vector<128x128xf32>
        %gt3A = arith.constant 0.699999988 : f32
        %gt3A_217 = vector.broadcast %gt3A : f32 to vector<128x128xf32>
        %gt3A_218 = arith.cmpf ogt, %div3A_216, %gt3A_217 : vector<128x128xf32>
        %and3A_219 = arith.andi %gt3A_218, %lt3A : vector<128x128xi1>
        %convert_element_type3A_220 = arith.extui %and3A_219 : vector<128x128xi1> to vector<128x128xi32>
        %convert_element_type3A_221 = arith.sitofp %convert_element_type3A_220 : vector<128x128xi32> to vector<128x128xf32>
        %while3A_222 = arith.constant true
        %while3A_223:2 = scf.while (%while3A_234 = %mul3A_149, %while3A_235 = %while3A_222) : (vector<1x128xf32>, i1) -> (vector<1x128xf32>, i1) {
          scf.condition(%while3A_235) %while3A_234, %while3A_235 : vector<1x128xf32>, i1
        } do {
        ^bb0(%while3A_234: vector<1x128xf32>, %while3A_235: i1):
          %dot_general3A = arith.constant dense<0.000000e+00> : vector<1x128xf32>
          %dot_general3A_236 = tpu.matmul %while3A_234, %convert_element_type3A_221, %dot_general3A {dimension_numbers = #tpu.dot_dimension_numbers<[1], [0], [0], [1], [0, 0, 1, 1], [], []>, transpose_lhs_hint = false} : vector<1x128xf32>, vector<128x128xf32>, vector<1x128xf32> -> vector<1x128xf32>
          %lt3A_237 = arith.constant 5.000000e-01 : f32
          %lt3A_238 = vector.broadcast %lt3A_237 : f32 to vector<1x128xf32>
          %lt3A_239 = arith.cmpf olt, %dot_general3A_236, %lt3A_238 : vector<1x128xf32>
          %convert_element_type3A_240 = arith.extui %lt3A_239 : vector<1x128xi1> to vector<1x128xi32>
          %convert_element_type3A_241 = arith.sitofp %convert_element_type3A_240 : vector<1x128xi32> to vector<1x128xf32>
          %mul3A_242 = arith.mulf %mul3A_149, %convert_element_type3A_241 : vector<1x128xf32>
          %ne3A_243 = arith.cmpf one, %mul3A_242, %while3A_234 : vector<1x128xf32>
          %reduce_or3A = arith.constant 1.000000e+00 : f32
          %reduce_or3A_244 = arith.constant 0.000000e+00 : f32
          %reduce_or3A_245 = vector.broadcast %reduce_or3A : f32 to vector<1x128xf32>
          %reduce_or3A_246 = vector.broadcast %reduce_or3A_244 : f32 to vector<1x128xf32>
          %reduce_or3A_247 = arith.select %ne3A_243, %reduce_or3A_245, %reduce_or3A_246 : vector<1x128xi1>, vector<1x128xf32>
          %reduce_or3A_248 = vector.shape_cast %reduce_or3A_247 : vector<1x128xf32> to vector<1x1x128xf32>
          %reduce_or3A_249 = arith.constant dense<0xFF800000> : vector<1xf32>
          %reduce_or3A_250 = vector.multi_reduction <maximumf>, %reduce_or3A_248, %reduce_or3A_249 [1, 2] : vector<1x1x128xf32> to vector<1xf32>
          %reduce_or3A_251 = vector.shape_cast %reduce_or3A_250 : vector<1xf32> to vector<1x1x1xf32>
          %reduce_or3A_252 = vector.extract %reduce_or3A_251[0, 0, 0] : f32 from vector<1x1x1xf32>
          %reduce_or3A_253 = arith.constant 0.000000e+00 : f32
          %reduce_or3A_254 = arith.cmpf ogt, %reduce_or3A_252, %reduce_or3A_253 : f32
          scf.yield %mul3A_242, %reduce_or3A_254 : vector<1x128xf32>, i1
        }
        %reduce_sum3A = vector.shape_cast %while3A_223#0 : vector<1x128xf32> to vector<1x1x128xf32>
        %reduce_sum3A_224 = arith.constant dense<0.000000e+00> : vector<1xf32>
        %reduce_sum3A_225 = vector.multi_reduction <add>, %reduce_sum3A, %reduce_sum3A_224 [1, 2] : vector<1x1x128xf32> to vector<1xf32>
        %reduce_sum3A_226 = vector.shape_cast %reduce_sum3A_225 : vector<1xf32> to vector<1x1x1xf32>
        %reduce_sum3A_227 = vector.extract %reduce_sum3A_226[0, 0, 0] : f32 from vector<1x1x1xf32>
        %convert_element_type3A_228 = arith.fptosi %reduce_sum3A_227 : f32 to i32
        %gt3A_229 = arith.constant 0 : i32
        %gt3A_230 = arith.cmpi sgt, %convert_element_type3A_228, %gt3A_229 : i32
        %convert_element_type3A_231 = arith.extui %gt3A_230 : i1 to i32
        %cond3A_232 = arith.constant 0 : i32
        %cond3A_233 = arith.cmpi ne, %convert_element_type3A_231, %cond3A_232 : i32
        scf.if %cond3A_233 {
          %sub3A_234 = arith.constant 1 : i32
          %sub3A_235 = arith.subi %get3A_73, %sub3A_234 : i32
          %dot_general3A = arith.constant dense<0.000000e+00> : vector<1x128xf32>
          %dot_general3A_236 = tpu.matmul %while3A_223#0, %convert_element_type3A_3, %dot_general3A {dimension_numbers = #tpu.dot_dimension_numbers<[1], [0], [0], [1], [0, 0, 1, 1], [], []>, transpose_lhs_hint = false} : vector<1x128xf32>, vector<128x128xf32>, vector<1x128xf32> -> vector<1x128xf32>
          %convert_element_type3A_237 = arith.fptosi %dot_general3A_236 : vector<1x128xf32> to vector<1x128xi32>
          %add3A_238 = vector.broadcast %sub3A_235 : i32 to vector<1x128xi32>
          %add3A_239 = arith.addi %add3A_238, %convert_element_type3A_237 : vector<1x128xi32>
          %jit3A_240 = arith.constant 128 : i32
          %div3A_241 = arith.divsi %get3A_73, %jit3A_240 : i32
          %sign3A_242 = arith.constant 0 : i32
          %sign3A_243 = arith.cmpi sgt, %get3A_73, %sign3A_242 : i32
          %sign3A_244 = arith.extui %sign3A_243 : i1 to i32
          %sign3A_245 = arith.constant 0 : i32
          %sign3A_246 = arith.cmpi slt, %get3A_73, %sign3A_245 : i32
          %sign3A_247 = arith.extui %sign3A_246 : i1 to i32
          %sign3A_248 = arith.subi %sign3A_244, %sign3A_247 : i32
          %sign3A_249 = arith.constant 0 : i32
          %sign3A_250 = arith.cmpi sgt, %jit3A_240, %sign3A_249 : i32
          %sign3A_251 = arith.extui %sign3A_250 : i1 to i32
          %sign3A_252 = arith.constant 0 : i32
          %sign3A_253 = arith.cmpi slt, %jit3A_240, %sign3A_252 : i32
          %sign3A_254 = arith.extui %sign3A_253 : i1 to i32
          %sign3A_255 = arith.subi %sign3A_251, %sign3A_254 : i32
          %ne3A_256 = arith.cmpi ne, %sign3A_248, %sign3A_255 : i32
          %rem3A_257 = arith.remsi %get3A_73, %jit3A_240 : i32
          %ne3A_258 = arith.constant 0 : i32
          %ne3A_259 = arith.cmpi ne, %rem3A_257, %ne3A_258 : i32
          %and3A_260 = arith.andi %ne3A_256, %ne3A_259 : i1
          %sub3A_261 = arith.constant 1 : i32
          %sub3A_262 = arith.subi %div3A_241, %sub3A_261 : i32
          %select_n3A_263 = arith.select %and3A_260, %sub3A_262, %div3A_241 : i32
          %mul3A_264 = arith.constant 128 : i32
          %mul3A_265 = arith.muli %select_n3A_263, %mul3A_264 : i32
          %add3A_266 = vector.broadcast %mul3A_265 : i32 to vector<256x1xi32>
          %add3A_267 = arith.addi %iota3A_6, %add3A_266 : vector<256x1xi32>
          %eq3A = vector.broadcast %add3A_267 : vector<256x1xi32> to vector<256x128xi32>
          %eq3A_268 = vector.broadcast %add3A_239 : vector<1x128xi32> to vector<256x128xi32>
          %eq3A_269 = arith.cmpi eq, %eq3A, %eq3A_268 : vector<256x128xi32>
          %gt3A_270 = arith.constant 5.000000e-01 : f32
          %gt3A_271 = vector.broadcast %gt3A_270 : f32 to vector<1x128xf32>
          %gt3A_272 = arith.cmpf ogt, %while3A_223#0, %gt3A_271 : vector<1x128xf32>
          %and3A_273 = vector.broadcast %gt3A_272 : vector<1x128xi1> to vector<256x128xi1>
          %and3A_274 = arith.andi %eq3A_269, %and3A_273 : vector<256x128xi1>
          %convert_element_type3A_275 = arith.extui %and3A_274 : vector<256x128xi1> to vector<256x128xi32>
          %convert_element_type3A_276 = arith.sitofp %convert_element_type3A_275 : vector<256x128xi32> to vector<256x128xf32>
          %concatenate3A = tpu.concatenate %get3A_78, %get3A_83, %get3A_88, %get3A_93 in 0 : vector<1x128xf32>, vector<1x128xf32>, vector<1x128xf32>, vector<1x128xf32> -> vector<4x128xf32>
          %bitcast_convert_type3A_277 = tpu.bitcast %concatenate3A : vector<4x128xf32> -> vector<4x128xi32>
          %jit3A_278 = arith.constant 256 : i32
          %eq3A_279 = arith.constant 0 : i32
          %eq3A_280 = arith.cmpi eq, %jit3A_278, %eq3A_279 : i32
          %jit3A_281 = arith.constant 1 : i32
          %select_n3A_282 = arith.select %eq3A_280, %jit3A_281, %jit3A_278 : i32
          %rem3A_283 = vector.broadcast %select_n3A_282 : i32 to vector<4x128xi32>
          %rem3A_284 = arith.remsi %bitcast_convert_type3A_277, %rem3A_283 : vector<4x128xi32>
          %ne3A_285 = arith.constant 0 : i32
          %ne3A_286 = vector.broadcast %ne3A_285 : i32 to vector<4x128xi32>
          %ne3A_287 = arith.cmpi ne, %rem3A_284, %ne3A_286 : vector<4x128xi32>
          %lt3A_288 = arith.constant 0 : i32
          %lt3A_289 = vector.broadcast %lt3A_288 : i32 to vector<4x128xi32>
          %lt3A_290 = arith.cmpi slt, %rem3A_284, %lt3A_289 : vector<4x128xi32>
          %lt3A_291 = arith.constant 0 : i32
          %lt3A_292 = arith.cmpi slt, %select_n3A_282, %lt3A_291 : i32
          %ne3A_293 = vector.broadcast %lt3A_292 : i1 to vector<4x128xi1>
          %ne3A_294 = vector.broadcast %ne3A_293 : vector<4x128xi1> to vector<4x128xi1>
          %ne3A_295 = arith.xori %lt3A_290, %ne3A_294 : vector<4x128xi1>
          %and3A_296 = arith.andi %ne3A_295, %ne3A_287 : vector<4x128xi1>
          %add3A_297 = vector.broadcast %select_n3A_282 : i32 to vector<4x128xi32>
          %add3A_298 = arith.addi %rem3A_284, %add3A_297 : vector<4x128xi32>
          %select_n3A_299 = arith.select %and3A_296, %add3A_298, %rem3A_284 : vector<4x128xi1>, vector<4x128xi32>
          %convert_element_type3A_300 = arith.sitofp %select_n3A_299 : vector<4x128xi32> to vector<4x128xf32>
          %jit3A_301 = arith.constant 256 : i32
          %div3A_302 = vector.broadcast %jit3A_301 : i32 to vector<4x128xi32>
          %div3A_303 = arith.divsi %bitcast_convert_type3A_277, %div3A_302 : vector<4x128xi32>
          %sign3A_304 = arith.constant 0 : i32
          %sign3A_305 = vector.broadcast %sign3A_304 : i32 to vector<4x128xi32>
          %sign3A_306 = arith.cmpi sgt, %bitcast_convert_type3A_277, %sign3A_305 : vector<4x128xi32>
          %sign3A_307 = arith.extui %sign3A_306 : vector<4x128xi1> to vector<4x128xi32>
          %sign3A_308 = arith.constant 0 : i32
          %sign3A_309 = vector.broadcast %sign3A_308 : i32 to vector<4x128xi32>
          %sign3A_310 = arith.cmpi slt, %bitcast_convert_type3A_277, %sign3A_309 : vector<4x128xi32>
          %sign3A_311 = arith.extui %sign3A_310 : vector<4x128xi1> to vector<4x128xi32>
          %sign3A_312 = arith.subi %sign3A_307, %sign3A_311 : vector<4x128xi32>
          %sign3A_313 = arith.constant 0 : i32
          %sign3A_314 = arith.cmpi sgt, %jit3A_301, %sign3A_313 : i32
          %sign3A_315 = arith.extui %sign3A_314 : i1 to i32
          %sign3A_316 = arith.constant 0 : i32
          %sign3A_317 = arith.cmpi slt, %jit3A_301, %sign3A_316 : i32
          %sign3A_318 = arith.extui %sign3A_317 : i1 to i32
          %sign3A_319 = arith.subi %sign3A_315, %sign3A_318 : i32
          %ne3A_320 = vector.broadcast %sign3A_319 : i32 to vector<4x128xi32>
          %ne3A_321 = arith.cmpi ne, %sign3A_312, %ne3A_320 : vector<4x128xi32>
          %rem3A_322 = vector.broadcast %jit3A_301 : i32 to vector<4x128xi32>
          %rem3A_323 = arith.remsi %bitcast_convert_type3A_277, %rem3A_322 : vector<4x128xi32>
          %ne3A_324 = arith.constant 0 : i32
          %ne3A_325 = vector.broadcast %ne3A_324 : i32 to vector<4x128xi32>
          %ne3A_326 = arith.cmpi ne, %rem3A_323, %ne3A_325 : vector<4x128xi32>
          %and3A_327 = arith.andi %ne3A_321, %ne3A_326 : vector<4x128xi1>
          %sub3A_328 = arith.constant 1 : i32
          %sub3A_329 = vector.broadcast %sub3A_328 : i32 to vector<4x128xi32>
          %sub3A_330 = arith.subi %div3A_303, %sub3A_329 : vector<4x128xi32>
          %select_n3A_331 = arith.select %and3A_327, %sub3A_330, %div3A_303 : vector<4x128xi1>, vector<4x128xi32>
          %jit3A_332 = arith.constant 256 : i32
          %eq3A_333 = arith.constant 0 : i32
          %eq3A_334 = arith.cmpi eq, %jit3A_332, %eq3A_333 : i32
          %jit3A_335 = arith.constant 1 : i32
          %select_n3A_336 = arith.select %eq3A_334, %jit3A_335, %jit3A_332 : i32
          %rem3A_337 = vector.broadcast %select_n3A_336 : i32 to vector<4x128xi32>
          %rem3A_338 = arith.remsi %select_n3A_331, %rem3A_337 : vector<4x128xi32>
          %ne3A_339 = arith.constant 0 : i32
          %ne3A_340 = vector.broadcast %ne3A_339 : i32 to vector<4x128xi32>
          %ne3A_341 = arith.cmpi ne, %rem3A_338, %ne3A_340 : vector<4x128xi32>
          %lt3A_342 = arith.constant 0 : i32
          %lt3A_343 = vector.broadcast %lt3A_342 : i32 to vector<4x128xi32>
          %lt3A_344 = arith.cmpi slt, %rem3A_338, %lt3A_343 : vector<4x128xi32>
          %lt3A_345 = arith.constant 0 : i32
          %lt3A_346 = arith.cmpi slt, %select_n3A_336, %lt3A_345 : i32
          %ne3A_347 = vector.broadcast %lt3A_346 : i1 to vector<4x128xi1>
          %ne3A_348 = vector.broadcast %ne3A_347 : vector<4x128xi1> to vector<4x128xi1>
          %ne3A_349 = arith.xori %lt3A_344, %ne3A_348 : vector<4x128xi1>
          %and3A_350 = arith.andi %ne3A_349, %ne3A_341 : vector<4x128xi1>
          %add3A_351 = vector.broadcast %select_n3A_336 : i32 to vector<4x128xi32>
          %add3A_352 = arith.addi %rem3A_338, %add3A_351 : vector<4x128xi32>
          %select_n3A_353 = arith.select %and3A_350, %add3A_352, %rem3A_338 : vector<4x128xi1>, vector<4x128xi32>
          %convert_element_type3A_354 = arith.sitofp %select_n3A_353 : vector<4x128xi32> to vector<4x128xf32>
          %jit3A_355 = arith.constant 256 : i32
          %div3A_356 = vector.broadcast %jit3A_355 : i32 to vector<4x128xi32>
          %div3A_357 = arith.divsi %select_n3A_331, %div3A_356 : vector<4x128xi32>
          %sign3A_358 = arith.constant 0 : i32
          %sign3A_359 = vector.broadcast %sign3A_358 : i32 to vector<4x128xi32>
          %sign3A_360 = arith.cmpi sgt, %select_n3A_331, %sign3A_359 : vector<4x128xi32>
          %sign3A_361 = arith.extui %sign3A_360 : vector<4x128xi1> to vector<4x128xi32>
          %sign3A_362 = arith.constant 0 : i32
          %sign3A_363 = vector.broadcast %sign3A_362 : i32 to vector<4x128xi32>
          %sign3A_364 = arith.cmpi slt, %select_n3A_331, %sign3A_363 : vector<4x128xi32>
          %sign3A_365 = arith.extui %sign3A_364 : vector<4x128xi1> to vector<4x128xi32>
          %sign3A_366 = arith.subi %sign3A_361, %sign3A_365 : vector<4x128xi32>
          %sign3A_367 = arith.constant 0 : i32
          %sign3A_368 = arith.cmpi sgt, %jit3A_355, %sign3A_367 : i32
          %sign3A_369 = arith.extui %sign3A_368 : i1 to i32
          %sign3A_370 = arith.constant 0 : i32
          %sign3A_371 = arith.cmpi slt, %jit3A_355, %sign3A_370 : i32
          %sign3A_372 = arith.extui %sign3A_371 : i1 to i32
          %sign3A_373 = arith.subi %sign3A_369, %sign3A_372 : i32
          %ne3A_374 = vector.broadcast %sign3A_373 : i32 to vector<4x128xi32>
          %ne3A_375 = arith.cmpi ne, %sign3A_366, %ne3A_374 : vector<4x128xi32>
          %rem3A_376 = vector.broadcast %jit3A_355 : i32 to vector<4x128xi32>
          %rem3A_377 = arith.remsi %select_n3A_331, %rem3A_376 : vector<4x128xi32>
          %ne3A_378 = arith.constant 0 : i32
          %ne3A_379 = vector.broadcast %ne3A_378 : i32 to vector<4x128xi32>
          %ne3A_380 = arith.cmpi ne, %rem3A_377, %ne3A_379 : vector<4x128xi32>
          %and3A_381 = arith.andi %ne3A_375, %ne3A_380 : vector<4x128xi1>
          %sub3A_382 = arith.constant 1 : i32
          %sub3A_383 = vector.broadcast %sub3A_382 : i32 to vector<4x128xi32>
          %sub3A_384 = arith.subi %div3A_357, %sub3A_383 : vector<4x128xi32>
          %select_n3A_385 = arith.select %and3A_381, %sub3A_384, %div3A_357 : vector<4x128xi1>, vector<4x128xi32>
          %jit3A_386 = arith.constant 256 : i32
          %eq3A_387 = arith.constant 0 : i32
          %eq3A_388 = arith.cmpi eq, %jit3A_386, %eq3A_387 : i32
          %jit3A_389 = arith.constant 1 : i32
          %select_n3A_390 = arith.select %eq3A_388, %jit3A_389, %jit3A_386 : i32
          %rem3A_391 = vector.broadcast %select_n3A_390 : i32 to vector<4x128xi32>
          %rem3A_392 = arith.remsi %select_n3A_385, %rem3A_391 : vector<4x128xi32>
          %ne3A_393 = arith.constant 0 : i32
          %ne3A_394 = vector.broadcast %ne3A_393 : i32 to vector<4x128xi32>
          %ne3A_395 = arith.cmpi ne, %rem3A_392, %ne3A_394 : vector<4x128xi32>
          %lt3A_396 = arith.constant 0 : i32
          %lt3A_397 = vector.broadcast %lt3A_396 : i32 to vector<4x128xi32>
          %lt3A_398 = arith.cmpi slt, %rem3A_392, %lt3A_397 : vector<4x128xi32>
          %lt3A_399 = arith.constant 0 : i32
          %lt3A_400 = arith.cmpi slt, %select_n3A_390, %lt3A_399 : i32
          %ne3A_401 = vector.broadcast %lt3A_400 : i1 to vector<4x128xi1>
          %ne3A_402 = vector.broadcast %ne3A_401 : vector<4x128xi1> to vector<4x128xi1>
          %ne3A_403 = arith.xori %lt3A_398, %ne3A_402 : vector<4x128xi1>
          %and3A_404 = arith.andi %ne3A_403, %ne3A_395 : vector<4x128xi1>
          %add3A_405 = vector.broadcast %select_n3A_390 : i32 to vector<4x128xi32>
          %add3A_406 = arith.addi %rem3A_392, %add3A_405 : vector<4x128xi32>
          %select_n3A_407 = arith.select %and3A_404, %add3A_406, %rem3A_392 : vector<4x128xi1>, vector<4x128xi32>
          %convert_element_type3A_408 = arith.sitofp %select_n3A_407 : vector<4x128xi32> to vector<4x128xf32>
          %jit3A_409 = arith.constant 256 : i32
          %div3A_410 = vector.broadcast %jit3A_409 : i32 to vector<4x128xi32>
          %div3A_411 = arith.divsi %select_n3A_385, %div3A_410 : vector<4x128xi32>
          %sign3A_412 = arith.constant 0 : i32
          %sign3A_413 = vector.broadcast %sign3A_412 : i32 to vector<4x128xi32>
          %sign3A_414 = arith.cmpi sgt, %select_n3A_385, %sign3A_413 : vector<4x128xi32>
          %sign3A_415 = arith.extui %sign3A_414 : vector<4x128xi1> to vector<4x128xi32>
          %sign3A_416 = arith.constant 0 : i32
          %sign3A_417 = vector.broadcast %sign3A_416 : i32 to vector<4x128xi32>
          %sign3A_418 = arith.cmpi slt, %select_n3A_385, %sign3A_417 : vector<4x128xi32>
          %sign3A_419 = arith.extui %sign3A_418 : vector<4x128xi1> to vector<4x128xi32>
          %sign3A_420 = arith.subi %sign3A_415, %sign3A_419 : vector<4x128xi32>
          %sign3A_421 = arith.constant 0 : i32
          %sign3A_422 = arith.cmpi sgt, %jit3A_409, %sign3A_421 : i32
          %sign3A_423 = arith.extui %sign3A_422 : i1 to i32
          %sign3A_424 = arith.constant 0 : i32
          %sign3A_425 = arith.cmpi slt, %jit3A_409, %sign3A_424 : i32
          %sign3A_426 = arith.extui %sign3A_425 : i1 to i32
          %sign3A_427 = arith.subi %sign3A_423, %sign3A_426 : i32
          %ne3A_428 = vector.broadcast %sign3A_427 : i32 to vector<4x128xi32>
          %ne3A_429 = arith.cmpi ne, %sign3A_420, %ne3A_428 : vector<4x128xi32>
          %rem3A_430 = vector.broadcast %jit3A_409 : i32 to vector<4x128xi32>
          %rem3A_431 = arith.remsi %select_n3A_385, %rem3A_430 : vector<4x128xi32>
          %ne3A_432 = arith.constant 0 : i32
          %ne3A_433 = vector.broadcast %ne3A_432 : i32 to vector<4x128xi32>
          %ne3A_434 = arith.cmpi ne, %rem3A_431, %ne3A_433 : vector<4x128xi32>
          %and3A_435 = arith.andi %ne3A_429, %ne3A_434 : vector<4x128xi1>
          %sub3A_436 = arith.constant 1 : i32
          %sub3A_437 = vector.broadcast %sub3A_436 : i32 to vector<4x128xi32>
          %sub3A_438 = arith.subi %div3A_411, %sub3A_437 : vector<4x128xi32>
          %select_n3A_439 = arith.select %and3A_435, %sub3A_438, %div3A_411 : vector<4x128xi1>, vector<4x128xi32>
          %convert_element_type3A_440 = arith.sitofp %select_n3A_439 : vector<4x128xi32> to vector<4x128xf32>
          %dot_general3A_441 = arith.constant dense<0.000000e+00> : vector<256x4xf32>
          %dot_general3A_442 = tpu.matmul %convert_element_type3A_276, %convert_element_type3A_300, %dot_general3A_441 {dimension_numbers = #tpu.dot_dimension_numbers<[1], [1], [0], [0], [0, 0, 1, 0], [], []>, transpose_lhs_hint = false} : vector<256x128xf32>, vector<4x128xf32>, vector<256x4xf32> -> vector<256x4xf32>
          %get3A_443 = arith.index_cast %mul3A_265 : i32 to index
          %get3A_444 = arith.constant 0 : index
          %get3A_445 = vector.load %arg7[%get3A_443, %get3A_444] : memref<2304x4xf32, #tpu.memory_space<vmem>>, vector<256x4xf32>
          %add3A_446 = arith.addf %get3A_445, %dot_general3A_442 : vector<256x4xf32>
          %swap3A_447 = arith.index_cast %mul3A_265 : i32 to index
          %swap3A_448 = arith.constant 0 : index
          %swap3A_449 = vector.load %arg7[%swap3A_447, %swap3A_448] : memref<2304x4xf32, #tpu.memory_space<vmem>>, vector<256x4xf32>
          tpu.vector_store %arg7[%swap3A_447, %swap3A_448], %add3A_446 {strides = array<i32>} : memref<2304x4xf32, #tpu.memory_space<vmem>>, vector<256x4xf32>,
          %dot_general3A_450 = arith.constant dense<0.000000e+00> : vector<256x4xf32>
          %dot_general3A_451 = tpu.matmul %convert_element_type3A_276, %convert_element_type3A_354, %dot_general3A_450 {dimension_numbers = #tpu.dot_dimension_numbers<[1], [1], [0], [0], [0, 0, 1, 0], [], []>, transpose_lhs_hint = false} : vector<256x128xf32>, vector<4x128xf32>, vector<256x4xf32> -> vector<256x4xf32>
          %get3A_452 = arith.index_cast %mul3A_265 : i32 to index
          %get3A_453 = arith.constant 0 : index
          %get3A_454 = vector.load %arg8[%get3A_452, %get3A_453] : memref<2304x4xf32, #tpu.memory_space<vmem>>, vector<256x4xf32>
          %add3A_455 = arith.addf %get3A_454, %dot_general3A_451 : vector<256x4xf32>
          %swap3A_456 = arith.index_cast %mul3A_265 : i32 to index
          %swap3A_457 = arith.constant 0 : index
          %swap3A_458 = vector.load %arg8[%swap3A_456, %swap3A_457] : memref<2304x4xf32, #tpu.memory_space<vmem>>, vector<256x4xf32>
          tpu.vector_store %arg8[%swap3A_456, %swap3A_457], %add3A_455 {strides = array<i32>} : memref<2304x4xf32, #tpu.memory_space<vmem>>, vector<256x4xf32>,
          %dot_general3A_459 = arith.constant dense<0.000000e+00> : vector<256x4xf32>
          %dot_general3A_460 = tpu.matmul %convert_element_type3A_276, %convert_element_type3A_408, %dot_general3A_459 {dimension_numbers = #tpu.dot_dimension_numbers<[1], [1], [0], [0], [0, 0, 1, 0], [], []>, transpose_lhs_hint = false} : vector<256x128xf32>, vector<4x128xf32>, vector<256x4xf32> -> vector<256x4xf32>
          %get3A_461 = arith.index_cast %mul3A_265 : i32 to index
          %get3A_462 = arith.constant 0 : index
          %get3A_463 = vector.load %arg9[%get3A_461, %get3A_462] : memref<2304x4xf32, #tpu.memory_space<vmem>>, vector<256x4xf32>
          %add3A_464 = arith.addf %get3A_463, %dot_general3A_460 : vector<256x4xf32>
          %swap3A_465 = arith.index_cast %mul3A_265 : i32 to index
          %swap3A_466 = arith.constant 0 : index
          %swap3A_467 = vector.load %arg9[%swap3A_465, %swap3A_466] : memref<2304x4xf32, #tpu.memory_space<vmem>>, vector<256x4xf32>
          tpu.vector_store %arg9[%swap3A_465, %swap3A_466], %add3A_464 {strides = array<i32>} : memref<2304x4xf32, #tpu.memory_space<vmem>>, vector<256x4xf32>,
          %dot_general3A_468 = arith.constant dense<0.000000e+00> : vector<256x4xf32>
          %dot_general3A_469 = tpu.matmul %convert_element_type3A_276, %convert_element_type3A_440, %dot_general3A_468 {dimension_numbers = #tpu.dot_dimension_numbers<[1], [1], [0], [0], [0, 0, 1, 0], [], []>, transpose_lhs_hint = false} : vector<256x128xf32>, vector<4x128xf32>, vector<256x4xf32> -> vector<256x4xf32>
          %get3A_470 = arith.index_cast %mul3A_265 : i32 to index
          %get3A_471 = arith.constant 0 : index
          %get3A_472 = vector.load %arg10[%get3A_470, %get3A_471] : memref<2304x4xf32, #tpu.memory_space<vmem>>, vector<256x4xf32>
          %add3A_473 = arith.addf %get3A_472, %dot_general3A_469 : vector<256x4xf32>
          %swap3A_474 = arith.index_cast %mul3A_265 : i32 to index
          %swap3A_475 = arith.constant 0 : index
          %swap3A_476 = vector.load %arg10[%swap3A_474, %swap3A_475] : memref<2304x4xf32, #tpu.memory_space<vmem>>, vector<256x4xf32>
          tpu.vector_store %arg10[%swap3A_474, %swap3A_475], %add3A_473 {strides = array<i32>} : memref<2304x4xf32, #tpu.memory_space<vmem>>, vector<256x4xf32>,
          %add3A_477 = arith.addi %get3A_73, %convert_element_type3A_228 : i32
          %swap3A_478 = arith.constant 0 : index
          %swap3A_479 = memref.load %arg11[%swap3A_478] : memref<1xi32, #tpu.memory_space<smem>>
          memref.store %add3A_477, %arg11[%swap3A_478] : memref<1xi32, #tpu.memory_space<smem>>
        } else {
        }
      } else {
      }
    }
    %scan3A_33 = arith.constant 94 : i32
    %get3A = arith.constant 0 : index
    %get3A_34 = arith.constant 0 : index
    %get3A_35 = vector.load %arg7[%get3A, %get3A_34] : memref<2304x4xf32, #tpu.memory_space<vmem>>, vector<2000x4xf32>
    %convert_element_type3A_36 = arith.fptosi %get3A_35 : vector<2000x4xf32> to vector<2000x4xi32>
    %get3A_37 = arith.constant 0 : index
    %get3A_38 = arith.constant 0 : index
    %get3A_39 = vector.load %arg8[%get3A_37, %get3A_38] : memref<2304x4xf32, #tpu.memory_space<vmem>>, vector<2000x4xf32>
    %convert_element_type3A_40 = arith.fptosi %get3A_39 : vector<2000x4xf32> to vector<2000x4xi32>
    %get3A_41 = arith.constant 0 : index
    %get3A_42 = arith.constant 0 : index
    %get3A_43 = vector.load %arg9[%get3A_41, %get3A_42] : memref<2304x4xf32, #tpu.memory_space<vmem>>, vector<2000x4xf32>
    %convert_element_type3A_44 = arith.fptosi %get3A_43 : vector<2000x4xf32> to vector<2000x4xi32>
    %get3A_45 = arith.constant 0 : index
    %get3A_46 = arith.constant 0 : index
    %get3A_47 = vector.load %arg10[%get3A_45, %get3A_46] : memref<2304x4xf32, #tpu.memory_space<vmem>>, vector<2000x4xf32>
    %convert_element_type3A_48 = arith.fptosi %get3A_47 : vector<2000x4xf32> to vector<2000x4xi32>
    %mul3A = arith.constant 256 : i32
    %mul3A_49 = vector.broadcast %mul3A : i32 to vector<2000x4xi32>
    %mul3A_50 = arith.muli %convert_element_type3A_48, %mul3A_49 : vector<2000x4xi32>
    %add3A = arith.addi %mul3A_50, %convert_element_type3A_44 : vector<2000x4xi32>
    %mul3A_51 = arith.constant 256 : i32
    %mul3A_52 = vector.broadcast %mul3A_51 : i32 to vector<2000x4xi32>
    %mul3A_53 = arith.muli %add3A, %mul3A_52 : vector<2000x4xi32>
    %add3A_54 = arith.addi %mul3A_53, %convert_element_type3A_40 : vector<2000x4xi32>
    %mul3A_55 = arith.constant 256 : i32
    %mul3A_56 = vector.broadcast %mul3A_55 : i32 to vector<2000x4xi32>
    %mul3A_57 = arith.muli %add3A_54, %mul3A_56 : vector<2000x4xi32>
    %add3A_58 = arith.addi %mul3A_57, %convert_element_type3A_36 : vector<2000x4xi32>
    %bitcast_convert_type3A = tpu.bitcast %add3A_58 : vector<2000x4xi32> -> vector<2000x4xf32>
    %swap3A_59 = arith.constant 0 : index
    %swap3A_60 = arith.constant 0 : index
    %swap3A_61 = arith.constant 0 : index
    %swap3A_62 = vector.load %arg6[%swap3A_59, %swap3A_60, %swap3A_61] : memref<1x2000x4xf32, #tpu.memory_space<vmem>>, vector<1x2000x4xf32>
    %swap3A_63 = vector.shape_cast %swap3A_62 : vector<1x2000x4xf32> to vector<2000x4xf32>
    %swap3A_64 = vector.shape_cast %bitcast_convert_type3A : vector<2000x4xf32> to vector<1x2000x4xf32>
    tpu.vector_store %arg6[%swap3A_59, %swap3A_60, %swap3A_61], %swap3A_64 {strides = array<i32>} : memref<1x2000x4xf32, #tpu.memory_space<vmem>>, vector<1x2000x4xf32>,
    return
  }
  func.func @transform_0(%arg0: i32) -> (i32, i32, i32) {
    %c0_i32 = arith.constant 0 : i32
    %c0_i32_0 = arith.constant 0 : i32
    %c0_i32_1 = arith.constant 0 : i32
    return %arg0, %c0_i32, %c0_i32_0 : i32, i32, i32
  }
  func.func @transform_1(%arg0: i32) -> (i32, i32, i32) {
    %c0_i32 = arith.constant 0 : i32
    %c0_i32_0 = arith.constant 0 : i32
    %c0_i32_1 = arith.constant 0 : i32
    return %arg0, %c0_i32, %c0_i32_0 : i32, i32, i32
  }
  func.func @transform_2(%arg0: i32) -> (i32, i32, i32) {
    %c0_i32 = arith.constant 0 : i32
    %c0_i32_0 = arith.constant 0 : i32
    %c0_i32_1 = arith.constant 0 : i32
    return %arg0, %c0_i32, %c0_i32_0 : i32, i32, i32
  }
  func.func @transform_3(%arg0: i32) -> (i32, i32, i32) {
    %c0_i32 = arith.constant 0 : i32
    %c0_i32_0 = arith.constant 0 : i32
    %c0_i32_1 = arith.constant 0 : i32
    return %arg0, %c0_i32, %c0_i32_0 : i32, i32, i32
  }
  func.func @transform_4(%arg0: i32) -> (i32, i32, i32) {
    %c0_i32 = arith.constant 0 : i32
    %c0_i32_0 = arith.constant 0 : i32
    %c0_i32_1 = arith.constant 0 : i32
    return %arg0, %c0_i32, %c0_i32_0 : i32, i32, i32
  }
  func.func @transform_5(%arg0: i32) -> (i32, i32, i32) {
    %c0_i32 = arith.constant 0 : i32
    %c0_i32_0 = arith.constant 0 : i32
    %c0_i32_1 = arith.constant 0 : i32
    return %arg0, %c0_i32, %c0_i32_0 : i32, i32, i32
  }
}

</mosaic_0001>

<sc_bundles>
// kernel: gather_offload_async_start.1
scs
__scs_entry_jumppad:
0x0: {  	(pc) =	sbr.rel $0x88, $3  }
0x1: {  	(tag) =	ssettag $0x0;
	lr =	simm.s32 $0x1  }
0x2: {  	[smem:$0x3F9E] =	sst lr;
	_ =	strace $0xD0000000  }
0x3: {  	_ = 	snop  }
0x4: {  	_ = 	snop  }
0x5: {  	_ = 	snop  }
0x6: {  	_ = 	snop  }
0x7: {  	_ = 	snop  }
__scs_overlays_trampoline_lowered:
0x8: {  	[smem:$0x3FAD] =	sst s0  }
0x9: {  	[smem:$0x3FAE] =	sst s1  }
0xa: {  	[smem:$0x3FAF] =	sst s2  }
0xb: {  	[smem:$0x3FB0] =	sst s3  }
0xc: {  	[smem:$0x3FB1] =	sst s4  }
0xd: {  	[smem:$0x3FB2] =	sst s5  }
0xe: {  	[smem:$0x3FB3] =	sst s6  }
0xf: {  	[smem:$0x3FB4] =	sst s7  }
0x10: {  	[smem:$0x3FB5] =	sst s8  }
0x11: {  	[smem:$0x3FB6] =	sst s9;
	s0 =	simm.s32 @!p0 $0x0  }
0x12: {  	s1 =	sld [smem:$0x3F9C];
	s0 =	simm.s32 @p0 $0x1  }
0x13: {  	[smem:$0x3FB7] =	sst s0;
	s0 =	simm.s32 @!p1 $0x0  }
0x14: {  	s2 =	sld [smem:$0x3F9B];
	s0 =	simm.s32 @p1 $0x1  }
0x15: {  	[smem:$0x3FB8] =	sst s0;
	s0 =	simm.s32 @!p2 $0x0  }
0x16: {  	s3 =	sld [smem:$0x3FDB];
	s0 =	simm.s32 @p2 $0x1  }
0x17: {  	s4 =	simm.s32 $0x1BF5;
	[smem:$0x3FBA] =	sst s0  }
0x18: {  	s0 =	sld [smem:$0x3F9D];
	_ =	swait.ge [sflag:s4], $0x0  }
0x19: {  	s7 =	sld [smem:$0x3F9E]  }
0x1a: {  	s8 =	sadd.s32 $0xFFFFE003, lr  }
0x1b: {  	s9 =	sadd.s32 $0xFFFFFEF7, lr;
	s5 =	simm.s32 $0xFFFFFFFF;
	p2 =	slt.u32 s8, $0xFFFFF086  }
0x1c: {  	p1 =	slt.u32 s9, $0xF7A;
	s5 =	simm.s32 @!p2 $0x0  }
0x1d: {  	s5 =	simm.s32 @p1 $0x1;
	p0 =	seq.s32 s7, s2  }
0x1e: {  	s7 =	smul.u32 @!p0 $0xF7A, s2;
	p2 =	seq.s32 @!p0 s5, $0x0  }
0x1f: {  	s9 =	smul.u32 $0xF7A, s1;
	s8 =	simm.s32 @!p0 $0x1BF5;
	p2 =	por !p2, p0  }
0x20: {  	[sflag:s8] =	ssyncset.s32 @!p0 $0xFFFFF086;
	s6 =	sadd.s32 @!p0 s3, s7;
	s7 =	simm.s32 @!p0 $0x108  }
0x21: {  	s3 =	sadd.s32 s3, s9;
	s6 =	sadd.s32 @!p0 $0x88, s6;
	s7 =	simm.s32 @p2 $0x1082  }
0x22: {  	[simem:s7], [sflag:s8] =	dma.local @!p0 [hbm:s6], $0xF7A  }
0x23: {  	s9 =	sor.u32 $0xD0000000, s2;
	s6 =	simm.s32 $0x108;
	_ =	swait.ge @!p0 [sflag:s8], $0x0  }
0x24: {  	s3 =	sadd.s32 $0x88, s3;
	s6 =	simm.s32 @!p1 $0x1082;
	[sflag:s4] =	ssyncset.s32 $0xFFFFF086  }
0x25: {  	[simem:s6], [sflag:s4] =	dma.local [hbm:s3], $0xF7A  }
0x26: {  	[smem:$0x3F9E] =	sst s1;
	(tag) =	ssettag s2;
	_ =	strace s9  }
0x27: {  	s1 =	sld [smem:$0x3FAE]  }
0x28: {  	s2 =	sld [smem:$0x3FAF]  }
0x29: {  	s4 =	sld [smem:$0x3FB1]  }
0x2a: {  	p0 =	seq.s32 s5, $0x0;
	s5 =	sld [smem:$0x3FB2]  }
0x2b: {  	s6 =	sld [smem:$0x3FB3]  }
0x2c: {  	s7 =	sld [smem:$0x3FB4]  }
0x2d: {  	s3 =	simm.s32 $0x108;
	s8 =	sld [smem:$0x3FB5]  }
0x2e: {  	s3 =	simm.s32 @!p0 $0x1082;
	s9 =	sld [smem:$0x3FB6]  }
0x2f: {  	lr =	sadd.s32 s0, s3;
	s0 =	sld [smem:$0x3FAD]  }
0x30: {  	s3 =	sld [smem:$0x3FB0]  }
0x31: {  	[smem:$0x3FB9] =	sst s10  }
0x32: {  	s10 =	sld [smem:$0x3FB7];
	_ =	sdelay $0x3  }
0x33: {  	p0 =	seq.s32 s10, $0x1;
	s10 =	sld [smem:$0x3FB9];
	_ =	sdelay $0x3  }
0x34: {  	[smem:$0x3FB9] =	sst s10  }
0x35: {  	s10 =	sld [smem:$0x3FB8];
	_ =	sdelay $0x3  }
0x36: {  	p1 =	seq.s32 s10, $0x1;
	s10 =	sld [smem:$0x3FB9];
	_ =	sdelay $0x3  }
0x37: {  	[smem:$0x3FB9] =	sst s10  }
0x38: {  	s10 =	sld [smem:$0x3FBA]  }
0x39: {  	_ = 	snop;
	(pc) =	sbr.ind lr, $3  }
0x3a: {  	_ = 	snop  }
0x3b: {  	_ = 	snop  }
0x3c: {  	p2 =	seq.s32 s10, $0x1;
	s10 =	sld [smem:$0x3FB9]  }
0x3d: {  	_ =	shalt  }
0x3e: {  	_ =	shalt  }
0x3f: {  	_ =	shalt  }
0x40: {  	_ =	shalt  }
0x41: {  	_ =	shalt  }
0x42: {  	_ =	shalt  }
0x43: {  	_ =	shalt  }
0x44: {  	_ =	shalt  }
0x45: {  	_ =	shalt  }
0x46: {  	_ =	shalt  }
0x47: {  	_ =	shalt  }
0x48: {  	_ =	shalt  }
0x49: {  	_ =	shalt  }
0x4a: {  	_ =	shalt  }
0x4b: {  	_ =	shalt  }
0x4c: {  	_ =	shalt  }
0x4d: {  	_ =	shalt  }
0x4e: {  	_ =	shalt  }
0x4f: {  	_ =	shalt  }
0x50: {  	_ =	shalt  }
0x51: {  	_ =	shalt  }
0x52: {  	_ =	shalt  }
0x53: {  	_ =	shalt  }
0x54: {  	_ =	shalt  }
0x55: {  	_ =	shalt  }
0x56: {  	_ =	shalt  }
0x57: {  	_ =	shalt  }
0x58: {  	_ =	shalt  }
0x59: {  	_ =	shalt  }
0x5a: {  	_ =	shalt  }
0x5b: {  	_ =	shalt  }
0x5c: {  	_ =	shalt  }
0x5d: {  	_ =	shalt  }
0x5e: {  	_ =	shalt  }
0x5f: {  	_ =	shalt  }
0x60: {  	_ =	shalt  }
0x61: {  	_ =	shalt  }
0x62: {  	_ =	shalt  }
0x63: {  	_ =	shalt  }
0x64: {  	_ =	shalt  }
0x65: {  	_ =	shalt  }
0x66: {  	_ =	shalt  }
0x67: {  	_ =	shalt  }
0x68: {  	_ =	shalt  }
0x69: {  	_ =	shalt  }
0x6a: {  	_ =	shalt  }
0x6b: {  	_ =	shalt  }
0x6c: {  	_ =	shalt  }
0x6d: {  	_ =	shalt  }
0x6e: {  	_ =	shalt  }
0x6f: {  	_ =	shalt  }
0x70: {  	_ =	shalt  }
0x71: {  	_ =	shalt  }
0x72: {  	_ =	shalt  }
0x73: {  	_ =	shalt  }
0x74: {  	_ =	shalt  }
0x75: {  	_ =	shalt  }
0x76: {  	_ =	shalt  }
0x77: {  	_ =	shalt  }
0x78: {  	_ =	shalt  }
0x79: {  	_ =	shalt  }
0x7a: {  	_ =	shalt  }
0x7b: {  	_ =	shalt  }
0x7c: {  	_ =	shalt  }
0x7d: {  	_ =	shalt  }
0x7e: {  	_ =	shalt  }
0x7f: {  	_ =	shalt  }
0x80: {  	_ =	shalt  }
0x81: {  	_ =	shalt  }
0x82: {  	_ =	shalt  }
0x83: {  	_ =	shalt  }
0x84: {  	_ =	shalt  }
0x85: {  	_ =	shalt  }
0x86: {  	_ =	shalt  }
0x87: {  	_ =	shalt  }
.Lfunc_end0:
.L_simem_size_0:
called_computation.1_lowered:
.L_overlay_start_0:
0x88: {  	s2 =	sld [smem:$0x3FD9]  }
0x89: {  	s3 =	sld [smem:$0x3FFE];
	_ =	sdelay $0x1  }
0x8a: {  	s1 =	srdreg.scid  }
0x8b: {  	s0 =	sand.u32 $0x1, s1  }
0x8c: {  	s16 =	sshll.u32 s0, $0xA;
	s2 =	sadd.s32 s3, s2  }
0x8d: {  	s2 =	sadd.s32 s2, s16  }
0x8e: {  	[smem:$0x3FC5] =	sst s2  }
0x8f: {  	_ = 	snop  }
0x90: {  	(tm) =	ssettm $0x1  }
0x91: {  	s17 =	sld [smem:$0x3FFB];
	_ =	sdelay $0x3  }
0x92: {  	_ =	strace s17  }
0x93: {  	s2 =	sld [smem:$0x3FFC];
	_ =	sdelay $0x3  }
0x94: {  	_ =	strace s2  }
0x95: {  	s2 =	sld [smem:$0x3FFD];
	_ =	sdelay $0x3  }
0x96: {  	_ =	strace s2  }
0x97: {  	_ =	strace $0x8FFFFFFF  }
0x98: {  	s18 =	sld [smem:$0x3FDB];
	_ =	sdelay $0x1  }
0x99: {  	s19 =	simm.s32 $_scs_section_size  }
0x9a: {  	s4 =	simm.s32 $_size__tile_overlayer_lowered;
	s5 =	simm.s32 $_tile_overlayer_lowered  }
0x9b: {  	s22 =	simm.s32 $0x1BFF;
	s21 =	sshll.u32 s5, $0x1;
	s2 =	sadd.s32 s19, s18  }
0x9c: {  	s6 =	simm.s32 $0x0;
	s20 =	sshll.u32 s4, $0x1;
	s4 =	sadd.s32 s21, s2  }
0x9d: {  	[timem:s6], [sflag:s22] =	dma.local [hbm:s4], s20  }
0x9e: {  	_ =	swait.ge [sflag:s22], s20  }
0x9f: {  	s3 =	ssub.s32 $0x0, s20;
	[sflag:s22] =	ssyncset.done $0x0  }
0xa0: {  	[sflag:s22] =	ssyncadd.s32 s3;
	_ =	sdelay $0x1  }
0xa1: {  	s23 =	simm.s32 $0x1B8B  }
0xa2: {  	_ =	swait.ge [sflag:s23], $0x1  }
0xa3: {  	[sflag:s23] =	ssyncset.done $0x0  }
0xa4: {  	s25 =	simm.s32 $0x1B8E;
	s24 =	sld [smem:$0x3FFE];
	[sflag:s23] =	ssyncadd.s32 $0xFFFFFFFF  }
0xa5: {  	s26 =	simm.s32 $execute0_lowered;
	[smem:$0x3FD2] =	sst s25  }
0xa6: {  	s4 =	sshll.u32 s26, $0x1;
	_ =	strace $0x8000004C;
	[dreg:$0x1] =	wrdreg $0xFFFFFFFF  }
0xa7: {  	s28 =	simm.s32 $_size_execute0_lowered;
	s2 =	sadd.s32 s2, s4;
	[dreg:$0x0] =	wrdreg $0x0  }
0xa8: {  	s4 =	sshll.u32 s28, $0x1;
	[dreg:$0x2] =	wrdreg s2  }
0xa9: {  	[dreg:$0x3] =	wrdreg s4  }
0xaa: {  	[dreg:$0x4] =	wrdreg $0xC0  }
0xab: {  	_ =	task [dreg:s6], $0x5FFFF  }
0xac: {  	[dreg:$0x1] =	wrdreg $0xFFFFFFFF  }
0xad: {  	[dreg:$0x0] =	wrdreg $0x60  }
0xae: {  	[dreg:$0x2] =	wrdreg s24  }
0xaf: {  	[dreg:$0x3] =	wrdreg $0x9  }
0xb0: {  	_ =	task.clear_ibuf [dreg:s6], $0x4FFFF;
	_ =	strace $0x9000004C  }
0xb1: {  	s29 =	simm.s32 $0x9;
	_ =	strace $0x8000004E  }
0xb2: {  	_ =	swait.ge [sflag:s29], $0x1  }
0xb3: {  	[sflag:s29] =	ssyncadd.s32 $0xFFFFFFFF  }
0xb4: {  	_ =	strace $0x9000004E  }
0xb5: {  	_ =	sfence  }
0xb6: {  	s30 =	sld [smem:$0x0];
	_ =	sdelay $0x2  }
0xb7: {  	s31 =	sshll.u32 s1, $0xD;
	s1 =	sshrl.u32 s1, $0x2  }
0xb8: {  	s3 =	sand.u32 $0x4000, s31;
	s1 =	sadd.s32 s1, s30  }
0xb9: {  	s0 =	sor.u32 s3, s0;
	s1 =	sshll.u32 s1, $0x11  }
0xba: {  	s0 =	sor.u32 s1, s0  }
0xbb: {  	s0 =	sadd.s32 $0x8F2B, s0  }
0xbc: {  	[sflag:s0] =	ssyncadd.remote.s32 $0x1  }
0xbd: {  	_ =	sfence.sel $0xFFFF  }
0xbe: {  	[dreg:$0x0] =	wrdreg $0xFFFFFFFF;
	(pc) =	sbr.abs _section_cstart, $3  }
0xbf: {  	[dreg:$0x1] =	wrdreg $0xFFFFFFFF  }
0xc0: {  	_ =	task.clear_ibuf [dreg:s6], $0x2FFFF;
	_ =	strace $0x9FFFFFFF  }
0xc1: {  	(tm) =	ssettm $0x7FFFFFFF  }
tec
execute0_lowered:
.L_overlay_start_1:
0x0: {  	(tag) =	ssettag $0x1  }
0x1: {  	s0 =	stileid.u32;
	s1 =	srdreg.scid  }
0x2: {  	s1 =	sand.u32 $0x1, s1;
	s2 =	sshll.u32 s0, $0x1  }
0x3: {  	s1 =	sor.u32 s2, s1  }
0x4: {  	s2 =	smul.u32 $0x2F0, s1;
	_ =	sdelay $0x1  }
0x5: {  	s6 =	ssub.s32 $0xBC00, s2  }
0x6: {  	s31 =	smul.u32 $0xAE4D, s6  }
0x7: {  	s8 =	rddreg [dreg:$0x0];
	s5 =	simm.s32 $0x1;
	s10 =	simm.s32 $0x3  }
0x8: {  	s13 =	simm.s32 $0x0;
	s12 =	simm.s32 $0x0;
	s7 =	sshrl.u32 s31, $0x1E  }
0x9: {  	s3 =	sadd.s32 $0xC000, s8;
	s4 =	sadd.s32 $0x7E00, s8;
	s9 =	smul.u32 $0x5E00, s7  }
.Ltmp0:
0xa: {  	s8 =	sadd.s32 $0xEA00, s8;
	s1 =	rddreg [dreg:$0x1];
	(pc) =	sbr.rel .LBB2_1-.Ltmp0, $4  }
0xb: {  	_ =	strace $0x8000004D;
	p0 =	sne.s32 s6, s9;
	s9 =	simm.s32 $0x1  }
0xc: {  	[sflag:s5] =	ssyncpa.u1 $0x0;
	s6 =	simm.s32 $0x2;
	s9 =	simm.s32 @!p0 $0x0  }
0xd: {  	s11 =	smov.u32 s2;
	[sflag:s6] =	ssyncpa.u1 $0x0;
	s7 =	sadd.s32 s7, s9  }
0xe: {  	vm0 =	vmmov $0xffff;
	[sflag:s10] =	ssyncpa.u1 $0x0;
	s10 =	simm.s32 $0x0;
	s9 =	sadd.s32 $0x1, s7  }
.LBB2_4:
0xf: {  	vm1 =	veq.s32 v4, $0x80000000;
	v56 =	vand.u32 $0x3, v4;
	v6 =	vand.u32 $0x7FFF, v6  }
0x10: {  	v2 =	vor.u32 v2, v5;
	v59 =	vshrl.u32 v1, $0x2;
	v60 =	vand.u32 $0x3, v1  }
0x11: {  	v4 =	vsel vm1, $0xFFFFFFFF, v56;
	v6 =	vsel vm1, $0xFFFFFFFF, v6;
	v2 =	vor.u32 v3, v2  }
0x12: {  	vm1 =	veq.s32 v1, $0x80000000;
	v5 =	vand.u32 $0x7FFF, v59;
	v7 =	vshrl.u32 v4, $0x2  }
0x13: {  	v57 =	vshll.u32 v6, $0x2;
	v4 =	vshll.u32 v4, $0x7;
	v1 =	vsel vm1, $0xFFFFFFFF, v60  }
0x14: {  	v5 =	vsel vm1, $0xFFFFFFFF, v5;
	v6 =	vand.u32 $0x7F, v6;
	v7 =	vmul.u32 $0x14400, v7  }
0x15: {  	v58 =	vand.u32 $0xFFFFFE00, v57;
	v4 =	vand.u32 $0x180, v4;
	v61 =	vshrl.u32 v1, $0x2  }
0x16: {  	v62 =	vshll.u32 v5, $0x2;
	v3 =	vadd.s32 v7, v58;
	v7 =	vmul.u32 $0x14400, v61  }
0x17: {  	v1 =	vshll.u32 v1, $0x7;
	v3 =	vor.u32 v4, v3;
	v4 =	vand.u32 $0xFFFFFE00, v62  }
0x18: {  	v1 =	vand.u32 $0x180, v1;
	v3 =	vor.u32 v6, v3;
	v4 =	vadd.s32 v7, v4  }
0x19: {  	[tilespmem:s16], [sflag:$0x1] =	stream.indirect_vreg.gather [hbm4b:s3+s10], $0x1, v0, vm0, $0x4038;
	v63 =	vand.u32 $0x7F, v5;
	v1 =	vor.u32 v1, v4;
	[tilespmem:$0xBC0] =	vst v63  }
0x1a: {  	s15 =	sadd.s32 $0x10, s15;
	(ifvalue) =	ssetifvalue $0x7FFFFFFF;
	v0 =	vor.u32 v63, v1  }
0x1b: {  	[tilespmem:s15], [sflag:$0x1] =	stream.indirect_vreg.gather [hbm4b:s3+s10], $0x1, v2, vm0, $0x4038;
	[tilespmem:$0xBC0] =	vst v63  }
0x1c: {  	s15 =	sadd.s32 $0x10, s15;
	(ifvalue) =	ssetifvalue $0x7FFFFFFF  }
0x1d: {  	[tilespmem:s15], [sflag:$0x1] =	stream.indirect_vreg.gather [hbm4b:s3+s10], $0x1, v3, vm0, $0x4038;
	[tilespmem:$0xBC0] =	vst v63  }
0x1e: {  	s15 =	sadd.s32 $0x10, s15;
	(ifvalue) =	ssetifvalue $0x7FFFFFFF  }
0x1f: {  	[tilespmem:s15], [sflag:$0x1] =	stream.indirect_vreg.gather [hbm4b:s3+s10], $0x1, v0, vm0, $0x4038;
	[tilespmem:$0xBC0] =	vst v63  }
0x20: {  	_ =	swait.ge [sflag:s5], $0x2F0  }
0x21: {  	s30 =	sshrl.u32 s13, $0x3;
	[sflag:s5] =	ssyncset.done $0x0  }
0x22: {  	s31 =	sand.u32 $0x7, s13;
	s15 =	sadd.s32 s8, s30;
	[sflag:s5] =	ssyncadd.s32 $0xFFFFFD10  }
0x23: {  	[hbm4b:s15+s31] =	stream.linear.scatter [tilespmem:s14], [sflag:$0x3], $0x2F0, $0x38;
	[tilespmem:$0xBC0] =	vst v63  }
.LBB2_5:
0x24: {  	s15 =	sadd.s32 $0x5E00, s11  }
0x25: {  	p1 =	sgt.s32 s15, $0xBBFF  }
0x26: {  	s15 =	smov.u32 @p1 s2;
	p1 =	sne.s32 s12, s9  }
.Ltmp1:
0x27: {  	p0 =	slt.u32 s12, $0x2;
	(pc) =	sbr.rel @!p1 .LBB2_6-.Ltmp1, $4  }
0x28: {  	s14 =	simm.s32 @!p0 $0x3  }
0x29: {  	_ =	swait.ge @!p0 [sflag:s14], $0x2F0  }
0x2a: {  	s16 =	sadd.s32 $0x1, s12;
	s13 =	smov.u32 s11;
	[sflag:s14] =	ssyncset.done @!p0 $0x0  }
0x2b: {  	s12 =	smov.u32 s16;
	s11 =	smov.u32 s15;
	[sflag:s14] =	ssyncadd.s32 @!p0 $0xFFFFFD10  }
.LBB2_1:
0x2c: {  	p0 =	sge.u32 s12, s7  }
0x2d: {  	s14 =	sxor.u32 @!p0 $0xFFFFFFFF, s12  }
0x2e: {  	s14 =	sand.u32 @!p0 $0x1, s14  }
0x2f: {  	s14 =	smul.u32 @!p0 $0xBC0, s14  }
0x30: {  	s31 =	sadd.s32 $0xFFFFFFFF, s12;
	s15 =	sshrl.u32 @!p0 s11, $0x3  }
0x31: {  	s16 =	sand.u32 @!p0 $0x7, s11;
	s15 =	sadd.s32 @!p0 s4, s15;
	s14 =	sshrl.u32 @!p0 s14, $0x2  }
0x32: {  	[tilespmem:s14], [sflag:$0x2] =	stream.linear.gather @!p0 [hbm4b:s15+s16], $0x2F0, $0x38;
	[tilespmem:$0xBC0] =	vst v63  }
0x33: {  	p0 =	sge.u32 s31, s7  }
.Ltmp2:
0x34: {  	_ = 	snop;
	(pc) =	sbr.rel @p0 .LBB2_5-.Ltmp2, $1  }
0x35: {  	_ =	sdelay $0x3  }
0x36: {  	s14 =	sand.u32 $0x1, s12  }
0x37: {  	_ =	swait.ge [sflag:s6], $0x2F0;
	p0 =	seq.s32 s14, $0x1;
	s14 =	simm.s32 $0x2F0  }
0x38: {  	[sflag:s6] =	ssyncset.done $0x0;
	s14 =	simm.s32 @!p0 $0x0  }
0x39: {  	[sflag:s6] =	ssyncadd.s32 $0xFFFFFD10;
	(ifvalue) =	ssetifvalue $0x7FFFFFFF;
	v0 =	vld.msk [tilespmem:s14+$0x0 ss:$0x1], $0xffff  }
0x3a: {  	s15 =	sadd.s32 $0x10, s14  }
0x3b: {  	v1 =	vld.msk [tilespmem:s15+$0x0 ss:$0x1], $0xffff;
	_ =	sdelay $0x2  }
0x3c: {  	v2 =	vshrl.u32 v0, $0x2  }
0x3d: {  	vm1 =	veq.s32 v0, $0x80000000;
	v0 =	vand.u32 $0x3, v0;
	v2 =	vand.u32 $0x7FFF, v2  }
0x3e: {  	v0 =	vsel vm1, $0xFFFFFFFF, v0;
	v6 =	vshrl.u32 v1, $0x2;
	v2 =	vsel vm1, $0xFFFFFFFF, v2  }
0x3f: {  	v3 =	vshrl.u32 v0, $0x2;
	v0 =	vshll.u32 v0, $0x7;
	vm1 =	veq.s32 v1, $0x80000000  }
0x40: {  	s15 =	sadd.s32 $0x10, s15;
	v1 =	vand.u32 $0x3, v1;
	v4 =	vshll.u32 v2, $0x2;
	v3 =	vmul.u32 $0x14400, v3  }
0x41: {  	v0 =	vand.u32 $0x180, v0;
	v7 =	vand.u32 $0x7F, v2;
	v5 =	vand.u32 $0xFFFFFE00, v4;
	v4 =	vld.msk [tilespmem:s15+$0x0 ss:$0x1], $0xffff  }
0x42: {  	v1 =	vsel vm1, $0xFFFFFFFF, v1;
	v2 =	vadd.s32 v3, v5;
	v3 =	vand.u32 $0x7FFF, v6  }
0x43: {  	v3 =	vsel vm1, $0xFFFFFFFF, v3;
	v0 =	vor.u32 v0, v2;
	v2 =	vshrl.u32 v1, $0x2  }
0x44: {  	v1 =	vshll.u32 v1, $0x7;
	v5 =	vshll.u32 v3, $0x2;
	v8 =	vmul.u32 $0x14400, v2  }
0x45: {  	s18 =	simm.s32 $0x30;
	s14 =	sadd.s32 $0x5E0, s14;
	s17 =	sadd.s32 $0x10, s15;
	v2 =	vand.u32 $0x180, v1;
	v0 =	vor.u32 v7, v0;
	v5 =	vand.u32 $0xFFFFFE00, v5  }
0x46: {  	s16 =	smov.u32 s14;
	s15 =	smov.u32 s14;
	v1 =	vld.msk [tilespmem:s17+$0x0 ss:$0x1], $0xffff;
	v3 =	vand.u32 $0x7F, v3;
	(ifvalue) =	ssetifvalue $0x7FFFFFFF;
	v6 =	vshrl.u32 v4, $0x2;
	v5 =	vadd.s32 v8, v5  }
.LBB2_3:
0x47: {  	s18 =	sadd.s32 $0x10, s18  }
0x48: {  	vm1 =	veq.s32 v4, $0x80000000;
	v4 =	vand.u32 $0x3, v4;
	v6 =	vand.u32 $0x7FFF, v6;
	s15 =	sadd.s32 $0x10, s15;
	p0 =	slt.u32 s18, $0x2E0  }
.Ltmp3:
0x49: {  	v5 =	vor.u32 v2, v5;
	v4 =	vsel vm1, $0xFFFFFFFF, v4;
	v7 =	vsel vm1, $0xFFFFFFFF, v6;
	(pc) =	sbr.rel @p0 .LBB2_3-.Ltmp3, $4  }
0x4a: {  	v2 =	vshrl.u32 v4, $0x2;
	v6 =	vshll.u32 v7, $0x2;
	v4 =	vshll.u32 v4, $0x7;
	[tilespmem:s16], [sflag:$0x1] =	stream.indirect_vreg.gather [hbm4b:s3+s10], $0x1, v0, vm0, $0x4038;
	[tilespmem:$0xBC0] =	vst v63  }
0x4b: {  	v0 =	vor.u32 v3, v5;
	s16 =	smov.u32 s15;
	v8 =	vmul.u32 $0x14400, v2;
	v2 =	vand.u32 $0x180, v4  }
0x4c: {  	s17 =	sadd.s32 $0x10, s17;
	v9 =	vand.u32 $0xFFFFFE00, v6  }
0x4d: {  	v3 =	vand.u32 $0x7F, v7;
	v6 =	vshrl.u32 v1, $0x2;
	v5 =	vadd.s32 v8, v9;
	(ifvalue) =	ssetifvalue $0x7FFFFFFF;
	v4 =	vmovc v1;
	v1 =	vld.msk [tilespmem:s17+$0x0 ss:$0x1], $0xffff  }
.Ltmp4:
0x4e: {  	_ = 	snop;
	(pc) =	sbr.rel .LBB2_4-.Ltmp4, $1  }
0x4f: {  	_ =	sdelay $0x3  }
.LBB2_6:
0x50: {  	_ =	sfence.sel $0x180000  }
0x51: {  	s2 =	simm.s32 $0x2;
	[bflag:$0x0] =	sbarrier.arrive $0xFFFF  }
0x52: {  	s30 =	simm.s32 $0x3;
	[sflag:s2] =	ssyncpa.u1 $0x1  }
0x53: {  	s31 =	simm.s32 $0x1;
	[sflag:s30] =	ssyncpa.u1 $0x1  }
0x54: {  	[sflag:s31] =	ssyncpa.u1 $0x1  }
0x55: {  	p0 =	sne.s32 s0, $0x0;
	_ =	strace $0x9000004D  }
0x56: {  	s0 =	sadd.s32 @!p0 $0x100000, s1;
	[bflag:$0x2] =	sbarrier.arrive $0xFFFF  }
0x57: {  	[sflag:s0] =	ssyncadd.tile.s32 @!p0 $0x1;
	_ =	shalt  }
.Lfunc_end2:
_tile_overlayer_lowered:
.L_overlay_start_2:
0x58: {  	(tag) =	ssettag $0x2  }
0x59: {  	s0 =	rddreg [dreg:$0x0];
	s2 =	stileid.u32  }
0x5a: {  	s1 =	rddreg [dreg:$0x1];
	p0 =	sne.s32 s2, $0x0  }
0x5b: {  	s3 =	rddreg [dreg:$0x2];
	[bflag:$0x3] =	sbarrier.arrive $0xFFFF;
	s2 =	simm.s32 @!p0 $0x1C01  }
0x5c: {  	[timem:s3], [sflag:s2] =	dma.local @!p0 [hbm:s0], s1  }
0x5d: {  	s0 =	simm.s32 @!p0 $0x1  }
0x5e: {  	_ =	swait.ge @!p0 [sflag:s0], s1  }
0x5f: {  	s1 =	ssub.s32 @!p0 $0x0, s1;
	[sflag:s0] =	ssyncset.done @!p0 $0x0  }
0x60: {  	[sflag:s0] =	ssyncadd.s32 @!p0 s1  }
0x61: {  	[bflag:$0x3] =	sbarrier.arrive $0xFFFF  }
0x62: {  	_ =	shalt  }

// kernel: gather_offload_async_start.2
scs
__scs_entry_jumppad:
0x0: {  	(pc) =	sbr.rel $0x88, $3  }
0x1: {  	(tag) =	ssettag $0x0;
	lr =	simm.s32 $0x1  }
0x2: {  	[smem:$0x3F9E] =	sst lr;
	_ =	strace $0xD0000000  }
0x3: {  	_ = 	snop  }
0x4: {  	_ = 	snop  }
0x5: {  	_ = 	snop  }
0x6: {  	_ = 	snop  }
0x7: {  	_ = 	snop  }
__scs_overlays_trampoline_lowered:
0x8: {  	[smem:$0x3FAD] =	sst s0  }
0x9: {  	[smem:$0x3FAE] =	sst s1  }
0xa: {  	[smem:$0x3FAF] =	sst s2  }
0xb: {  	[smem:$0x3FB0] =	sst s3  }
0xc: {  	[smem:$0x3FB1] =	sst s4  }
0xd: {  	[smem:$0x3FB2] =	sst s5  }
0xe: {  	[smem:$0x3FB3] =	sst s6  }
0xf: {  	[smem:$0x3FB4] =	sst s7  }
0x10: {  	[smem:$0x3FB5] =	sst s8  }
0x11: {  	[smem:$0x3FB6] =	sst s9;
	s0 =	simm.s32 @!p0 $0x0  }
0x12: {  	s1 =	sld [smem:$0x3F9C];
	s0 =	simm.s32 @p0 $0x1  }
0x13: {  	[smem:$0x3FB7] =	sst s0;
	s0 =	simm.s32 @!p1 $0x0  }
0x14: {  	s2 =	sld [smem:$0x3F9B];
	s0 =	simm.s32 @p1 $0x1  }
0x15: {  	[smem:$0x3FB8] =	sst s0;
	s0 =	simm.s32 @!p2 $0x0  }
0x16: {  	s3 =	sld [smem:$0x3FDB];
	s0 =	simm.s32 @p2 $0x1  }
0x17: {  	s4 =	simm.s32 $0x1BF5;
	[smem:$0x3FBA] =	sst s0  }
0x18: {  	s0 =	sld [smem:$0x3F9D];
	_ =	swait.ge [sflag:s4], $0x0  }
0x19: {  	s7 =	sld [smem:$0x3F9E]  }
0x1a: {  	s8 =	sadd.s32 $0xFFFFE003, lr  }
0x1b: {  	s9 =	sadd.s32 $0xFFFFFEF7, lr;
	s5 =	simm.s32 $0xFFFFFFFF;
	p2 =	slt.u32 s8, $0xFFFFF086  }
0x1c: {  	p1 =	slt.u32 s9, $0xF7A;
	s5 =	simm.s32 @!p2 $0x0  }
0x1d: {  	s5 =	simm.s32 @p1 $0x1;
	p0 =	seq.s32 s7, s2  }
0x1e: {  	s7 =	smul.u32 @!p0 $0xF7A, s2;
	p2 =	seq.s32 @!p0 s5, $0x0  }
0x1f: {  	s9 =	smul.u32 $0xF7A, s1;
	s8 =	simm.s32 @!p0 $0x1BF5;
	p2 =	por !p2, p0  }
0x20: {  	[sflag:s8] =	ssyncset.s32 @!p0 $0xFFFFF086;
	s6 =	sadd.s32 @!p0 s3, s7;
	s7 =	simm.s32 @!p0 $0x108  }
0x21: {  	s3 =	sadd.s32 s3, s9;
	s6 =	sadd.s32 @!p0 $0x88, s6;
	s7 =	simm.s32 @p2 $0x1082  }
0x22: {  	[simem:s7], [sflag:s8] =	dma.local @!p0 [hbm:s6], $0xF7A  }
0x23: {  	s9 =	sor.u32 $0xD0000000, s2;
	s6 =	simm.s32 $0x108;
	_ =	swait.ge @!p0 [sflag:s8], $0x0  }
0x24: {  	s3 =	sadd.s32 $0x88, s3;
	s6 =	simm.s32 @!p1 $0x1082;
	[sflag:s4] =	ssyncset.s32 $0xFFFFF086  }
0x25: {  	[simem:s6], [sflag:s4] =	dma.local [hbm:s3], $0xF7A  }
0x26: {  	[smem:$0x3F9E] =	sst s1;
	(tag) =	ssettag s2;
	_ =	strace s9  }
0x27: {  	s1 =	sld [smem:$0x3FAE]  }
0x28: {  	s2 =	sld [smem:$0x3FAF]  }
0x29: {  	s4 =	sld [smem:$0x3FB1]  }
0x2a: {  	p0 =	seq.s32 s5, $0x0;
	s5 =	sld [smem:$0x3FB2]  }
0x2b: {  	s6 =	sld [smem:$0x3FB3]  }
0x2c: {  	s7 =	sld [smem:$0x3FB4]  }
0x2d: {  	s3 =	simm.s32 $0x108;
	s8 =	sld [smem:$0x3FB5]  }
0x2e: {  	s3 =	simm.s32 @!p0 $0x1082;
	s9 =	sld [smem:$0x3FB6]  }
0x2f: {  	lr =	sadd.s32 s0, s3;
	s0 =	sld [smem:$0x3FAD]  }
0x30: {  	s3 =	sld [smem:$0x3FB0]  }
0x31: {  	[smem:$0x3FB9] =	sst s10  }
0x32: {  	s10 =	sld [smem:$0x3FB7];
	_ =	sdelay $0x3  }
0x33: {  	p0 =	seq.s32 s10, $0x1;
	s10 =	sld [smem:$0x3FB9];
	_ =	sdelay $0x3  }
0x34: {  	[smem:$0x3FB9] =	sst s10  }
0x35: {  	s10 =	sld [smem:$0x3FB8];
	_ =	sdelay $0x3  }
0x36: {  	p1 =	seq.s32 s10, $0x1;
	s10 =	sld [smem:$0x3FB9];
	_ =	sdelay $0x3  }
0x37: {  	[smem:$0x3FB9] =	sst s10  }
0x38: {  	s10 =	sld [smem:$0x3FBA]  }
0x39: {  	_ = 	snop;
	(pc) =	sbr.ind lr, $3  }
0x3a: {  	_ = 	snop  }
0x3b: {  	_ = 	snop  }
0x3c: {  	p2 =	seq.s32 s10, $0x1;
	s10 =	sld [smem:$0x3FB9]  }
0x3d: {  	_ =	shalt  }
0x3e: {  	_ =	shalt  }
0x3f: {  	_ =	shalt  }
0x40: {  	_ =	shalt  }
0x41: {  	_ =	shalt  }
0x42: {  	_ =	shalt  }
0x43: {  	_ =	shalt  }
0x44: {  	_ =	shalt  }
0x45: {  	_ =	shalt  }
0x46: {  	_ =	shalt  }
0x47: {  	_ =	shalt  }
0x48: {  	_ =	shalt  }
0x49: {  	_ =	shalt  }
0x4a: {  	_ =	shalt  }
0x4b: {  	_ =	shalt  }
0x4c: {  	_ =	shalt  }
0x4d: {  	_ =	shalt  }
0x4e: {  	_ =	shalt  }
0x4f: {  	_ =	shalt  }
0x50: {  	_ =	shalt  }
0x51: {  	_ =	shalt  }
0x52: {  	_ =	shalt  }
0x53: {  	_ =	shalt  }
0x54: {  	_ =	shalt  }
0x55: {  	_ =	shalt  }
0x56: {  	_ =	shalt  }
0x57: {  	_ =	shalt  }
0x58: {  	_ =	shalt  }
0x59: {  	_ =	shalt  }
0x5a: {  	_ =	shalt  }
0x5b: {  	_ =	shalt  }
0x5c: {  	_ =	shalt  }
0x5d: {  	_ =	shalt  }
0x5e: {  	_ =	shalt  }
0x5f: {  	_ =	shalt  }
0x60: {  	_ =	shalt  }
0x61: {  	_ =	shalt  }
0x62: {  	_ =	shalt  }
0x63: {  	_ =	shalt  }
0x64: {  	_ =	shalt  }
0x65: {  	_ =	shalt  }
0x66: {  	_ =	shalt  }
0x67: {  	_ =	shalt  }
0x68: {  	_ =	shalt  }
0x69: {  	_ =	shalt  }
0x6a: {  	_ =	shalt  }
0x6b: {  	_ =	shalt  }
0x6c: {  	_ =	shalt  }
0x6d: {  	_ =	shalt  }
0x6e: {  	_ =	shalt  }
0x6f: {  	_ =	shalt  }
0x70: {  	_ =	shalt  }
0x71: {  	_ =	shalt  }
0x72: {  	_ =	shalt  }
0x73: {  	_ =	shalt  }
0x74: {  	_ =	shalt  }
0x75: {  	_ =	shalt  }
0x76: {  	_ =	shalt  }
0x77: {  	_ =	shalt  }
0x78: {  	_ =	shalt  }
0x79: {  	_ =	shalt  }
0x7a: {  	_ =	shalt  }
0x7b: {  	_ =	shalt  }
0x7c: {  	_ =	shalt  }
0x7d: {  	_ =	shalt  }
0x7e: {  	_ =	shalt  }
0x7f: {  	_ =	shalt  }
0x80: {  	_ =	shalt  }
0x81: {  	_ =	shalt  }
0x82: {  	_ =	shalt  }
0x83: {  	_ =	shalt  }
0x84: {  	_ =	shalt  }
0x85: {  	_ =	shalt  }
0x86: {  	_ =	shalt  }
0x87: {  	_ =	shalt  }
.Lfunc_end0:
.L_simem_size_0:
called_computation.2_lowered:
.L_overlay_start_0:
0x88: {  	s2 =	sld [smem:$0x3FD9]  }
0x89: {  	s3 =	sld [smem:$0x3FFE];
	_ =	sdelay $0x1  }
0x8a: {  	s1 =	srdreg.scid  }
0x8b: {  	s0 =	sand.u32 $0x1, s1  }
0x8c: {  	s17 =	sshll.u32 s0, $0xA;
	s2 =	sadd.s32 s3, s2  }
0x8d: {  	s2 =	sadd.s32 s2, s17  }
0x8e: {  	[smem:$0x3FC5] =	sst s2  }
0x8f: {  	_ = 	snop  }
0x90: {  	(tm) =	ssettm $0x1  }
0x91: {  	s18 =	sld [smem:$0x3FFB];
	_ =	sdelay $0x3  }
0x92: {  	_ =	strace s18  }
0x93: {  	s2 =	sld [smem:$0x3FFC];
	_ =	sdelay $0x3  }
0x94: {  	_ =	strace s2  }
0x95: {  	s2 =	sld [smem:$0x3FFD];
	_ =	sdelay $0x3  }
0x96: {  	_ =	strace s2  }
0x97: {  	_ =	strace $0x8FFFFFFF  }
0x98: {  	s19 =	sld [smem:$0x3FDB];
	_ =	sdelay $0x1  }
0x99: {  	s20 =	simm.s32 $_scs_section_size  }
0x9a: {  	s4 =	simm.s32 $_size__tile_overlayer_lowered;
	s5 =	simm.s32 $_tile_overlayer_lowered  }
0x9b: {  	s6 =	simm.s32 $0x1BFF;
	s21 =	sshll.u32 s5, $0x1;
	s3 =	sadd.s32 s20, s19  }
0x9c: {  	s22 =	simm.s32 $0x0;
	s4 =	sshll.u32 s4, $0x1;
	s5 =	sadd.s32 s21, s3  }
0x9d: {  	[timem:s22], [sflag:s6] =	dma.local [hbm:s5], s4  }
0x9e: {  	_ =	swait.ge [sflag:s6], s4  }
0x9f: {  	s4 =	ssub.s32 $0x0, s4;
	[sflag:s6] =	ssyncset.done $0x0  }
0xa0: {  	[sflag:s6] =	ssyncadd.s32 s4;
	_ =	sdelay $0x1  }
0xa1: {  	s23 =	simm.s32 $0x1B8B  }
0xa2: {  	_ =	swait.ge [sflag:s23], $0x1  }
0xa3: {  	[sflag:s23] =	ssyncset.done $0x0  }
0xa4: {  	[sflag:s23] =	ssyncadd.s32 $0xFFFFFFFF  }
0xa5: {  	s4 =	sld [smem:$0x0]  }
0xa6: {  	s5 =	sand.u32 $0xFFFFFFFE, s1  }
0xa7: {  	p0 =	sne.s32 s1, s5  }
0xa8: {  	s5 =	sshll.u32 @p0 s5, $0xE  }
0xa9: {  	s5 =	sadd.s32 @p0 $0x11B8D, s5;
	s6 =	sshll.u32 @p0 s4, $0x11  }
0xaa: {  	s5 =	sor.u32 @p0 s6, s5  }
0xab: {  	[sflag:s5] =	ssyncadd.remote.s32 @p0 $0x1;
	_ =	sdelay $0x1  }
0xac: {  	s5 =	simm.s32 @p0 $0x1B8D  }
0xad: {  	_ =	swait.eq @p0 [sflag:s5], $0x1  }
0xae: {  	[sflag:s5] =	ssyncadd.s32 @p0 $0xFFFFFFFF  }
0xaf: {  	s6 =	sshll.u32 @!p0 s1, $0xE  }
0xb0: {  	s6 =	sor.u32 @!p0 $0x4000, s6;
	s5 =	simm.s32 @!p0 $0x1B8D  }
0xb1: {  	s4 =	sshll.u32 @!p0 s4, $0x11;
	s6 =	sadd.s32 @!p0 $0x11B8D, s6;
	_ =	swait.eq @!p0 [sflag:s5], $0x1  }
0xb2: {  	s4 =	sor.u32 @!p0 s4, s6;
	[sflag:s5] =	ssyncadd.s32 @!p0 $0xFFFFFFFF  }
0xb3: {  	s25 =	simm.s32 $0x1B8E;
	s24 =	sld [smem:$0x3FFE];
	[sflag:s4] =	ssyncadd.remote.s32 @!p0 $0x1  }
0xb4: {  	s26 =	simm.s32 $execute0_lowered;
	[smem:$0x3FD2] =	sst s25  }
0xb5: {  	s5 =	sshll.u32 s26, $0x1;
	_ =	strace $0x8000004F;
	[dreg:$0x1] =	wrdreg $0xFFFFFFFF  }
0xb6: {  	s28 =	simm.s32 $_size_execute0_lowered;
	s3 =	sadd.s32 s3, s5;
	[dreg:$0x0] =	wrdreg $0x0  }
0xb7: {  	s5 =	sshll.u32 s28, $0x1;
	[dreg:$0x2] =	wrdreg s3  }
0xb8: {  	[dreg:$0x3] =	wrdreg s5  }
0xb9: {  	[dreg:$0x4] =	wrdreg $0xC0  }
0xba: {  	_ =	task [dreg:s22], $0x5FFFF  }
0xbb: {  	[dreg:$0x1] =	wrdreg $0xFFFFFFFF  }
0xbc: {  	[dreg:$0x0] =	wrdreg $0x60  }
0xbd: {  	[dreg:$0x2] =	wrdreg s24  }
0xbe: {  	[dreg:$0x3] =	wrdreg $0xA  }
0xbf: {  	_ =	task.clear_ibuf [dreg:s22], $0x4FFFF;
	_ =	strace $0x9000004F  }
0xc0: {  	s29 =	simm.s32 $0xA;
	_ =	strace $0x80000051  }
0xc1: {  	_ =	swait.ge [sflag:s29], $0x1  }
0xc2: {  	[sflag:s29] =	ssyncadd.s32 $0xFFFFFFFF  }
0xc3: {  	_ =	strace $0x90000051  }
0xc4: {  	_ =	sfence  }
0xc5: {  	s30 =	sld [smem:$0x0];
	_ =	sdelay $0x2  }
0xc6: {  	s31 =	sshll.u32 s1, $0xD;
	s1 =	sshrl.u32 s1, $0x2  }
0xc7: {  	s4 =	sand.u32 $0x4000, s31;
	s1 =	sadd.s32 s1, s30  }
0xc8: {  	s0 =	sor.u32 s4, s0;
	s1 =	sshll.u32 s1, $0x11  }
0xc9: {  	s0 =	sor.u32 s1, s0  }
0xca: {  	s0 =	sadd.s32 $0x8F2B, s0  }
0xcb: {  	[sflag:s0] =	ssyncadd.remote.s32 $0x1  }
0xcc: {  	_ =	sfence.sel $0xFFFF  }
0xcd: {  	[dreg:$0x0] =	wrdreg $0xFFFFFFFF;
	(pc) =	sbr.abs _section_cstart, $3  }
0xce: {  	[dreg:$0x1] =	wrdreg $0xFFFFFFFF  }
0xcf: {  	_ =	task.clear_ibuf [dreg:s22], $0x2FFFF;
	_ =	strace $0x9FFFFFFF  }
0xd0: {  	(tm) =	ssettm $0x7FFFFFFF  }
0xd1: {  	_ =	shalt  }
tec
execute0_lowered:
.L_overlay_start_1:
0x0: {  	(tag) =	ssettag $0x1  }
0x1: {  	s0 =	stileid.u32;
	s1 =	srdreg.scid  }
0x2: {  	s1 =	sand.u32 $0x1, s1;
	s2 =	sshll.u32 s0, $0x1  }
0x3: {  	s1 =	sor.u32 s2, s1  }
0x4: {  	s2 =	smul.u32 $0x2F0, s1;
	_ =	sdelay $0x1  }
0x5: {  	s6 =	ssub.s32 $0xBC00, s2  }
0x6: {  	s31 =	smul.u32 $0xAE4D, s6  }
0x7: {  	s8 =	rddreg [dreg:$0x0];
	s5 =	simm.s32 $0x1;
	s10 =	simm.s32 $0x3  }
0x8: {  	s13 =	simm.s32 $0x0;
	s12 =	simm.s32 $0x0;
	s7 =	sshrl.u32 s31, $0x1E  }
0x9: {  	s3 =	sadd.s32 $0x10200, s8;
	s4 =	sadd.s32 $0x7E00, s8;
	s9 =	smul.u32 $0x5E00, s7  }
.Ltmp0:
0xa: {  	s8 =	sadd.s32 $0x1800, s8;
	s1 =	rddreg [dreg:$0x1];
	(pc) =	sbr.rel .LBB2_1-.Ltmp0, $4  }
0xb: {  	_ =	strace $0x80000050;
	p0 =	sne.s32 s6, s9;
	s9 =	simm.s32 $0x1  }
0xc: {  	[sflag:s5] =	ssyncpa.u1 $0x0;
	s6 =	simm.s32 $0x2;
	s9 =	simm.s32 @!p0 $0x0  }
0xd: {  	s11 =	smov.u32 s2;
	[sflag:s6] =	ssyncpa.u1 $0x0;
	s7 =	sadd.s32 s7, s9  }
0xe: {  	vm0 =	vmmov $0xffff;
	[sflag:s10] =	ssyncpa.u1 $0x0;
	s10 =	simm.s32 $0x0;
	s9 =	sadd.s32 $0x1, s7  }
.LBB2_4:
0xf: {  	vm1 =	veq.s32 v4, $0x80000000;
	v56 =	vand.u32 $0x3, v4;
	v6 =	vand.u32 $0x7FFF, v6  }
0x10: {  	v2 =	vor.u32 v2, v5;
	v59 =	vshrl.u32 v1, $0x2;
	v60 =	vand.u32 $0x3, v1  }
0x11: {  	v4 =	vsel vm1, $0xFFFFFFFF, v56;
	v6 =	vsel vm1, $0xFFFFFFFF, v6;
	v2 =	vor.u32 v3, v2  }
0x12: {  	vm1 =	veq.s32 v1, $0x80000000;
	v5 =	vand.u32 $0x7FFF, v59;
	v7 =	vshrl.u32 v4, $0x2  }
0x13: {  	v57 =	vshll.u32 v6, $0x2;
	v4 =	vshll.u32 v4, $0x7;
	v1 =	vsel vm1, $0xFFFFFFFF, v60  }
0x14: {  	v5 =	vsel vm1, $0xFFFFFFFF, v5;
	v6 =	vand.u32 $0x7F, v6;
	v7 =	vmul.u32 $0x14400, v7  }
0x15: {  	v58 =	vand.u32 $0xFFFFFE00, v57;
	v4 =	vand.u32 $0x180, v4;
	v61 =	vshrl.u32 v1, $0x2  }
0x16: {  	v62 =	vshll.u32 v5, $0x2;
	v3 =	vadd.s32 v7, v58;
	v7 =	vmul.u32 $0x14400, v61  }
0x17: {  	v1 =	vshll.u32 v1, $0x7;
	v3 =	vor.u32 v4, v3;
	v4 =	vand.u32 $0xFFFFFE00, v62  }
0x18: {  	v1 =	vand.u32 $0x180, v1;
	v3 =	vor.u32 v6, v3;
	v4 =	vadd.s32 v7, v4  }
0x19: {  	[tilespmem:s16], [sflag:$0x1] =	stream.indirect_vreg.gather [hbm4b:s3+s10], $0x1, v0, vm0, $0x4038;
	v63 =	vand.u32 $0x7F, v5;
	v1 =	vor.u32 v1, v4;
	[tilespmem:$0xBC0] =	vst v63  }
0x1a: {  	s15 =	sadd.s32 $0x10, s15;
	(ifvalue) =	ssetifvalue $0x7FFFFFFF;
	v0 =	vor.u32 v63, v1  }
0x1b: {  	[tilespmem:s15], [sflag:$0x1] =	stream.indirect_vreg.gather [hbm4b:s3+s10], $0x1, v2, vm0, $0x4038;
	[tilespmem:$0xBC0] =	vst v63  }
0x1c: {  	s15 =	sadd.s32 $0x10, s15;
	(ifvalue) =	ssetifvalue $0x7FFFFFFF  }
0x1d: {  	[tilespmem:s15], [sflag:$0x1] =	stream.indirect_vreg.gather [hbm4b:s3+s10], $0x1, v3, vm0, $0x4038;
	[tilespmem:$0xBC0] =	vst v63  }
0x1e: {  	s15 =	sadd.s32 $0x10, s15;
	(ifvalue) =	ssetifvalue $0x7FFFFFFF  }
0x1f: {  	[tilespmem:s15], [sflag:$0x1] =	stream.indirect_vreg.gather [hbm4b:s3+s10], $0x1, v0, vm0, $0x4038;
	[tilespmem:$0xBC0] =	vst v63  }
0x20: {  	_ =	swait.ge [sflag:s5], $0x2F0  }
0x21: {  	s30 =	sshrl.u32 s13, $0x3;
	[sflag:s5] =	ssyncset.done $0x0  }
0x22: {  	s31 =	sand.u32 $0x7, s13;
	s15 =	sadd.s32 s8, s30;
	[sflag:s5] =	ssyncadd.s32 $0xFFFFFD10  }
0x23: {  	[hbm4b:s15+s31] =	stream.linear.scatter [tilespmem:s14], [sflag:$0x3], $0x2F0, $0x38;
	[tilespmem:$0xBC0] =	vst v63  }
.LBB2_5:
0x24: {  	s15 =	sadd.s32 $0x5E00, s11  }
0x25: {  	p1 =	sgt.s32 s15, $0xBBFF  }
0x26: {  	s15 =	smov.u32 @p1 s2;
	p1 =	sne.s32 s12, s9  }
.Ltmp1:
0x27: {  	p0 =	slt.u32 s12, $0x2;
	(pc) =	sbr.rel @!p1 .LBB2_6-.Ltmp1, $4  }
0x28: {  	s14 =	simm.s32 @!p0 $0x3  }
0x29: {  	_ =	swait.ge @!p0 [sflag:s14], $0x2F0  }
0x2a: {  	s16 =	sadd.s32 $0x1, s12;
	s13 =	smov.u32 s11;
	[sflag:s14] =	ssyncset.done @!p0 $0x0  }
0x2b: {  	s12 =	smov.u32 s16;
	s11 =	smov.u32 s15;
	[sflag:s14] =	ssyncadd.s32 @!p0 $0xFFFFFD10  }
.LBB2_1:
0x2c: {  	p0 =	sge.u32 s12, s7  }
0x2d: {  	s14 =	sxor.u32 @!p0 $0xFFFFFFFF, s12  }
0x2e: {  	s14 =	sand.u32 @!p0 $0x1, s14  }
0x2f: {  	s14 =	smul.u32 @!p0 $0xBC0, s14  }
0x30: {  	s31 =	sadd.s32 $0xFFFFFFFF, s12;
	s15 =	sshrl.u32 @!p0 s11, $0x3  }
0x31: {  	s16 =	sand.u32 @!p0 $0x7, s11;
	s15 =	sadd.s32 @!p0 s4, s15;
	s14 =	sshrl.u32 @!p0 s14, $0x2  }
0x32: {  	[tilespmem:s14], [sflag:$0x2] =	stream.linear.gather @!p0 [hbm4b:s15+s16], $0x2F0, $0x38;
	[tilespmem:$0xBC0] =	vst v63  }
0x33: {  	p0 =	sge.u32 s31, s7  }
.Ltmp2:
0x34: {  	_ = 	snop;
	(pc) =	sbr.rel @p0 .LBB2_5-.Ltmp2, $1  }
0x35: {  	_ =	sdelay $0x3  }
0x36: {  	s14 =	sand.u32 $0x1, s12  }
0x37: {  	_ =	swait.ge [sflag:s6], $0x2F0;
	p0 =	seq.s32 s14, $0x1;
	s14 =	simm.s32 $0x2F0  }
0x38: {  	[sflag:s6] =	ssyncset.done $0x0;
	s14 =	simm.s32 @!p0 $0x0  }
0x39: {  	[sflag:s6] =	ssyncadd.s32 $0xFFFFFD10;
	(ifvalue) =	ssetifvalue $0x7FFFFFFF;
	v0 =	vld.msk [tilespmem:s14+$0x0 ss:$0x1], $0xffff  }
0x3a: {  	s15 =	sadd.s32 $0x10, s14  }
0x3b: {  	v1 =	vld.msk [tilespmem:s15+$0x0 ss:$0x1], $0xffff;
	_ =	sdelay $0x2  }
0x3c: {  	v2 =	vshrl.u32 v0, $0x2  }
0x3d: {  	vm1 =	veq.s32 v0, $0x80000000;
	v0 =	vand.u32 $0x3, v0;
	v2 =	vand.u32 $0x7FFF, v2  }
0x3e: {  	v0 =	vsel vm1, $0xFFFFFFFF, v0;
	v6 =	vshrl.u32 v1, $0x2;
	v2 =	vsel vm1, $0xFFFFFFFF, v2  }
0x3f: {  	v3 =	vshrl.u32 v0, $0x2;
	v0 =	vshll.u32 v0, $0x7;
	vm1 =	veq.s32 v1, $0x80000000  }
0x40: {  	s15 =	sadd.s32 $0x10, s15;
	v1 =	vand.u32 $0x3, v1;
	v4 =	vshll.u32 v2, $0x2;
	v3 =	vmul.u32 $0x14400, v3  }
0x41: {  	v0 =	vand.u32 $0x180, v0;
	v7 =	vand.u32 $0x7F, v2;
	v5 =	vand.u32 $0xFFFFFE00, v4;
	v4 =	vld.msk [tilespmem:s15+$0x0 ss:$0x1], $0xffff  }
0x42: {  	v1 =	vsel vm1, $0xFFFFFFFF, v1;
	v2 =	vadd.s32 v3, v5;
	v3 =	vand.u32 $0x7FFF, v6  }
0x43: {  	v3 =	vsel vm1, $0xFFFFFFFF, v3;
	v0 =	vor.u32 v0, v2;
	v2 =	vshrl.u32 v1, $0x2  }
0x44: {  	v1 =	vshll.u32 v1, $0x7;
	v5 =	vshll.u32 v3, $0x2;
	v8 =	vmul.u32 $0x14400, v2  }
0x45: {  	s18 =	simm.s32 $0x30;
	s14 =	sadd.s32 $0x5E0, s14;
	s17 =	sadd.s32 $0x10, s15;
	v2 =	vand.u32 $0x180, v1;
	v0 =	vor.u32 v7, v0;
	v5 =	vand.u32 $0xFFFFFE00, v5  }
0x46: {  	s16 =	smov.u32 s14;
	s15 =	smov.u32 s14;
	v1 =	vld.msk [tilespmem:s17+$0x0 ss:$0x1], $0xffff;
	v3 =	vand.u32 $0x7F, v3;
	(ifvalue) =	ssetifvalue $0x7FFFFFFF;
	v6 =	vshrl.u32 v4, $0x2;
	v5 =	vadd.s32 v8, v5  }
.LBB2_3:
0x47: {  	s18 =	sadd.s32 $0x10, s18  }
0x48: {  	vm1 =	veq.s32 v4, $0x80000000;
	v4 =	vand.u32 $0x3, v4;
	v6 =	vand.u32 $0x7FFF, v6;
	s15 =	sadd.s32 $0x10, s15;
	p0 =	slt.u32 s18, $0x2E0  }
.Ltmp3:
0x49: {  	v5 =	vor.u32 v2, v5;
	v4 =	vsel vm1, $0xFFFFFFFF, v4;
	v7 =	vsel vm1, $0xFFFFFFFF, v6;
	(pc) =	sbr.rel @p0 .LBB2_3-.Ltmp3, $4  }
0x4a: {  	v2 =	vshrl.u32 v4, $0x2;
	v6 =	vshll.u32 v7, $0x2;
	v4 =	vshll.u32 v4, $0x7;
	[tilespmem:s16], [sflag:$0x1] =	stream.indirect_vreg.gather [hbm4b:s3+s10], $0x1, v0, vm0, $0x4038;
	[tilespmem:$0xBC0] =	vst v63  }
0x4b: {  	v0 =	vor.u32 v3, v5;
	s16 =	smov.u32 s15;
	v8 =	vmul.u32 $0x14400, v2;
	v2 =	vand.u32 $0x180, v4  }
0x4c: {  	s17 =	sadd.s32 $0x10, s17;
	v9 =	vand.u32 $0xFFFFFE00, v6  }
0x4d: {  	v3 =	vand.u32 $0x7F, v7;
	v6 =	vshrl.u32 v1, $0x2;
	v5 =	vadd.s32 v8, v9;
	(ifvalue) =	ssetifvalue $0x7FFFFFFF;
	v4 =	vmovc v1;
	v1 =	vld.msk [tilespmem:s17+$0x0 ss:$0x1], $0xffff  }
.Ltmp4:
0x4e: {  	_ = 	snop;
	(pc) =	sbr.rel .LBB2_4-.Ltmp4, $1  }
0x4f: {  	_ =	sdelay $0x3  }
.LBB2_6:
0x50: {  	_ =	sfence.sel $0x180000  }
0x51: {  	s2 =	simm.s32 $0x2;
	[bflag:$0x0] =	sbarrier.arrive $0xFFFF  }
0x52: {  	s30 =	simm.s32 $0x3;
	[sflag:s2] =	ssyncpa.u1 $0x1  }
0x53: {  	s31 =	simm.s32 $0x1;
	[sflag:s30] =	ssyncpa.u1 $0x1  }
0x54: {  	[sflag:s31] =	ssyncpa.u1 $0x1  }
0x55: {  	p0 =	sne.s32 s0, $0x0;
	_ =	strace $0x90000050  }
0x56: {  	s0 =	sadd.s32 @!p0 $0x100000, s1;
	[bflag:$0x2] =	sbarrier.arrive $0xFFFF  }
0x57: {  	[sflag:s0] =	ssyncadd.tile.s32 @!p0 $0x1;
	_ =	shalt  }
.Lfunc_end2:
_tile_overlayer_lowered:
.L_overlay_start_2:
0x58: {  	(tag) =	ssettag $0x2  }
0x59: {  	s0 =	rddreg [dreg:$0x0];
	s2 =	stileid.u32  }
0x5a: {  	s1 =	rddreg [dreg:$0x1];
	p0 =	sne.s32 s2, $0x0  }
0x5b: {  	s3 =	rddreg [dreg:$0x2];
	[bflag:$0x3] =	sbarrier.arrive $0xFFFF;
	s2 =	simm.s32 @!p0 $0x1C01  }
0x5c: {  	[timem:s3], [sflag:s2] =	dma.local @!p0 [hbm:s0], s1  }
0x5d: {  	s0 =	simm.s32 @!p0 $0x1  }
0x5e: {  	_ =	swait.ge @!p0 [sflag:s0], s1  }
0x5f: {  	s1 =	ssub.s32 @!p0 $0x0, s1;
	[sflag:s0] =	ssyncset.done @!p0 $0x0  }
0x60: {  	[sflag:s0] =	ssyncadd.s32 @!p0 s1  }
0x61: {  	[bflag:$0x3] =	sbarrier.arrive $0xFFFF  }
0x62: {  	_ =	shalt  }

// kernel: gather_offload_async_start.3
scs
__scs_entry_jumppad:
0x0: {  	(pc) =	sbr.rel $0x88, $3  }
0x1: {  	(tag) =	ssettag $0x0;
	lr =	simm.s32 $0x1  }
0x2: {  	[smem:$0x3F9E] =	sst lr;
	_ =	strace $0xD0000000  }
0x3: {  	_ = 	snop  }
0x4: {  	_ = 	snop  }
0x5: {  	_ = 	snop  }
0x6: {  	_ = 	snop  }
0x7: {  	_ = 	snop  }
__scs_overlays_trampoline_lowered:
0x8: {  	[smem:$0x3FAD] =	sst s0  }
0x9: {  	[smem:$0x3FAE] =	sst s1  }
0xa: {  	[smem:$0x3FAF] =	sst s2  }
0xb: {  	[smem:$0x3FB0] =	sst s3  }
0xc: {  	[smem:$0x3FB1] =	sst s4  }
0xd: {  	[smem:$0x3FB2] =	sst s5  }
0xe: {  	[smem:$0x3FB3] =	sst s6  }
0xf: {  	[smem:$0x3FB4] =	sst s7  }
0x10: {  	[smem:$0x3FB5] =	sst s8  }
0x11: {  	[smem:$0x3FB6] =	sst s9;
	s0 =	simm.s32 @!p0 $0x0  }
0x12: {  	s1 =	sld [smem:$0x3F9C];
	s0 =	simm.s32 @p0 $0x1  }
0x13: {  	[smem:$0x3FB7] =	sst s0;
	s0 =	simm.s32 @!p1 $0x0  }
0x14: {  	s2 =	sld [smem:$0x3F9B];
	s0 =	simm.s32 @p1 $0x1  }
0x15: {  	[smem:$0x3FB8] =	sst s0;
	s0 =	simm.s32 @!p2 $0x0  }
0x16: {  	s3 =	sld [smem:$0x3FDB];
	s0 =	simm.s32 @p2 $0x1  }
0x17: {  	s4 =	simm.s32 $0x1BF5;
	[smem:$0x3FBA] =	sst s0  }
0x18: {  	s0 =	sld [smem:$0x3F9D];
	_ =	swait.ge [sflag:s4], $0x0  }
0x19: {  	s7 =	sld [smem:$0x3F9E]  }
0x1a: {  	s8 =	sadd.s32 $0xFFFFE003, lr  }
0x1b: {  	s9 =	sadd.s32 $0xFFFFFEF7, lr;
	s5 =	simm.s32 $0xFFFFFFFF;
	p2 =	slt.u32 s8, $0xFFFFF086  }
0x1c: {  	p1 =	slt.u32 s9, $0xF7A;
	s5 =	simm.s32 @!p2 $0x0  }
0x1d: {  	s5 =	simm.s32 @p1 $0x1;
	p0 =	seq.s32 s7, s2  }
0x1e: {  	s7 =	smul.u32 @!p0 $0xF7A, s2;
	p2 =	seq.s32 @!p0 s5, $0x0  }
0x1f: {  	s9 =	smul.u32 $0xF7A, s1;
	s8 =	simm.s32 @!p0 $0x1BF5;
	p2 =	por !p2, p0  }
0x20: {  	[sflag:s8] =	ssyncset.s32 @!p0 $0xFFFFF086;
	s6 =	sadd.s32 @!p0 s3, s7;
	s7 =	simm.s32 @!p0 $0x108  }
0x21: {  	s3 =	sadd.s32 s3, s9;
	s6 =	sadd.s32 @!p0 $0x88, s6;
	s7 =	simm.s32 @p2 $0x1082  }
0x22: {  	[simem:s7], [sflag:s8] =	dma.local @!p0 [hbm:s6], $0xF7A  }
0x23: {  	s9 =	sor.u32 $0xD0000000, s2;
	s6 =	simm.s32 $0x108;
	_ =	swait.ge @!p0 [sflag:s8], $0x0  }
0x24: {  	s3 =	sadd.s32 $0x88, s3;
	s6 =	simm.s32 @!p1 $0x1082;
	[sflag:s4] =	ssyncset.s32 $0xFFFFF086  }
0x25: {  	[simem:s6], [sflag:s4] =	dma.local [hbm:s3], $0xF7A  }
0x26: {  	[smem:$0x3F9E] =	sst s1;
	(tag) =	ssettag s2;
	_ =	strace s9  }
0x27: {  	s1 =	sld [smem:$0x3FAE]  }
0x28: {  	s2 =	sld [smem:$0x3FAF]  }
0x29: {  	s4 =	sld [smem:$0x3FB1]  }
0x2a: {  	p0 =	seq.s32 s5, $0x0;
	s5 =	sld [smem:$0x3FB2]  }
0x2b: {  	s6 =	sld [smem:$0x3FB3]  }
0x2c: {  	s7 =	sld [smem:$0x3FB4]  }
0x2d: {  	s3 =	simm.s32 $0x108;
	s8 =	sld [smem:$0x3FB5]  }
0x2e: {  	s3 =	simm.s32 @!p0 $0x1082;
	s9 =	sld [smem:$0x3FB6]  }
0x2f: {  	lr =	sadd.s32 s0, s3;
	s0 =	sld [smem:$0x3FAD]  }
0x30: {  	s3 =	sld [smem:$0x3FB0]  }
0x31: {  	[smem:$0x3FB9] =	sst s10  }
0x32: {  	s10 =	sld [smem:$0x3FB7];
	_ =	sdelay $0x3  }
0x33: {  	p0 =	seq.s32 s10, $0x1;
	s10 =	sld [smem:$0x3FB9];
	_ =	sdelay $0x3  }
0x34: {  	[smem:$0x3FB9] =	sst s10  }
0x35: {  	s10 =	sld [smem:$0x3FB8];
	_ =	sdelay $0x3  }
0x36: {  	p1 =	seq.s32 s10, $0x1;
	s10 =	sld [smem:$0x3FB9];
	_ =	sdelay $0x3  }
0x37: {  	[smem:$0x3FB9] =	sst s10  }
0x38: {  	s10 =	sld [smem:$0x3FBA]  }
0x39: {  	_ = 	snop;
	(pc) =	sbr.ind lr, $3  }
0x3a: {  	_ = 	snop  }
0x3b: {  	_ = 	snop  }
0x3c: {  	p2 =	seq.s32 s10, $0x1;
	s10 =	sld [smem:$0x3FB9]  }
0x3d: {  	_ =	shalt  }
0x3e: {  	_ =	shalt  }
0x3f: {  	_ =	shalt  }
0x40: {  	_ =	shalt  }
0x41: {  	_ =	shalt  }
0x42: {  	_ =	shalt  }
0x43: {  	_ =	shalt  }
0x44: {  	_ =	shalt  }
0x45: {  	_ =	shalt  }
0x46: {  	_ =	shalt  }
0x47: {  	_ =	shalt  }
0x48: {  	_ =	shalt  }
0x49: {  	_ =	shalt  }
0x4a: {  	_ =	shalt  }
0x4b: {  	_ =	shalt  }
0x4c: {  	_ =	shalt  }
0x4d: {  	_ =	shalt  }
0x4e: {  	_ =	shalt  }
0x4f: {  	_ =	shalt  }
0x50: {  	_ =	shalt  }
0x51: {  	_ =	shalt  }
0x52: {  	_ =	shalt  }
0x53: {  	_ =	shalt  }
0x54: {  	_ =	shalt  }
0x55: {  	_ =	shalt  }
0x56: {  	_ =	shalt  }
0x57: {  	_ =	shalt  }
0x58: {  	_ =	shalt  }
0x59: {  	_ =	shalt  }
0x5a: {  	_ =	shalt  }
0x5b: {  	_ =	shalt  }
0x5c: {  	_ =	shalt  }
0x5d: {  	_ =	shalt  }
0x5e: {  	_ =	shalt  }
0x5f: {  	_ =	shalt  }
0x60: {  	_ =	shalt  }
0x61: {  	_ =	shalt  }
0x62: {  	_ =	shalt  }
0x63: {  	_ =	shalt  }
0x64: {  	_ =	shalt  }
0x65: {  	_ =	shalt  }
0x66: {  	_ =	shalt  }
0x67: {  	_ =	shalt  }
0x68: {  	_ =	shalt  }
0x69: {  	_ =	shalt  }
0x6a: {  	_ =	shalt  }
0x6b: {  	_ =	shalt  }
0x6c: {  	_ =	shalt  }
0x6d: {  	_ =	shalt  }
0x6e: {  	_ =	shalt  }
0x6f: {  	_ =	shalt  }
0x70: {  	_ =	shalt  }
0x71: {  	_ =	shalt  }
0x72: {  	_ =	shalt  }
0x73: {  	_ =	shalt  }
0x74: {  	_ =	shalt  }
0x75: {  	_ =	shalt  }
0x76: {  	_ =	shalt  }
0x77: {  	_ =	shalt  }
0x78: {  	_ =	shalt  }
0x79: {  	_ =	shalt  }
0x7a: {  	_ =	shalt  }
0x7b: {  	_ =	shalt  }
0x7c: {  	_ =	shalt  }
0x7d: {  	_ =	shalt  }
0x7e: {  	_ =	shalt  }
0x7f: {  	_ =	shalt  }
0x80: {  	_ =	shalt  }
0x81: {  	_ =	shalt  }
0x82: {  	_ =	shalt  }
0x83: {  	_ =	shalt  }
0x84: {  	_ =	shalt  }
0x85: {  	_ =	shalt  }
0x86: {  	_ =	shalt  }
0x87: {  	_ =	shalt  }
.Lfunc_end0:
.L_simem_size_0:
called_computation.3_lowered:
.L_overlay_start_0:
0x88: {  	s2 =	sld [smem:$0x3FD9]  }
0x89: {  	s3 =	sld [smem:$0x3FFE];
	_ =	sdelay $0x1  }
0x8a: {  	s1 =	srdreg.scid  }
0x8b: {  	s0 =	sand.u32 $0x1, s1  }
0x8c: {  	s16 =	sshll.u32 s0, $0xA;
	s2 =	sadd.s32 s3, s2  }
0x8d: {  	s2 =	sadd.s32 s2, s16  }
0x8e: {  	[smem:$0x3FC5] =	sst s2  }
0x8f: {  	_ = 	snop  }
0x90: {  	(tm) =	ssettm $0x1  }
0x91: {  	s17 =	sld [smem:$0x3FFB];
	_ =	sdelay $0x3  }
0x92: {  	_ =	strace s17  }
0x93: {  	s2 =	sld [smem:$0x3FFC];
	_ =	sdelay $0x3  }
0x94: {  	_ =	strace s2  }
0x95: {  	s2 =	sld [smem:$0x3FFD];
	_ =	sdelay $0x3  }
0x96: {  	_ =	strace s2  }
0x97: {  	_ =	strace $0x8FFFFFFF  }
0x98: {  	s18 =	sld [smem:$0x3FDB];
	_ =	sdelay $0x1  }
0x99: {  	s19 =	simm.s32 $_scs_section_size  }
0x9a: {  	s4 =	simm.s32 $_size__tile_overlayer_lowered;
	s5 =	simm.s32 $_tile_overlayer_lowered  }
0x9b: {  	s22 =	simm.s32 $0x1BFF;
	s21 =	sshll.u32 s5, $0x1;
	s2 =	sadd.s32 s19, s18  }
0x9c: {  	s6 =	simm.s32 $0x0;
	s20 =	sshll.u32 s4, $0x1;
	s4 =	sadd.s32 s21, s2  }
0x9d: {  	[timem:s6], [sflag:s22] =	dma.local [hbm:s4], s20  }
0x9e: {  	_ =	swait.ge [sflag:s22], s20  }
0x9f: {  	s3 =	ssub.s32 $0x0, s20;
	[sflag:s22] =	ssyncset.done $0x0  }
0xa0: {  	[sflag:s22] =	ssyncadd.s32 s3;
	_ =	sdelay $0x1  }
0xa1: {  	s23 =	simm.s32 $0x1B8B  }
0xa2: {  	_ =	swait.ge [sflag:s23], $0x1  }
0xa3: {  	[sflag:s23] =	ssyncset.done $0x0  }
0xa4: {  	s25 =	simm.s32 $0x1B8E;
	s24 =	sld [smem:$0x3FFE];
	[sflag:s23] =	ssyncadd.s32 $0xFFFFFFFF  }
0xa5: {  	s26 =	simm.s32 $execute0_lowered;
	[smem:$0x3FD2] =	sst s25  }
0xa6: {  	s4 =	sshll.u32 s26, $0x1;
	_ =	strace $0x80000046;
	[dreg:$0x1] =	wrdreg $0xFFFFFFFF  }
0xa7: {  	s28 =	simm.s32 $_size_execute0_lowered;
	s2 =	sadd.s32 s2, s4;
	[dreg:$0x0] =	wrdreg $0x0  }
0xa8: {  	s4 =	sshll.u32 s28, $0x1;
	[dreg:$0x2] =	wrdreg s2  }
0xa9: {  	[dreg:$0x3] =	wrdreg s4  }
0xaa: {  	[dreg:$0x4] =	wrdreg $0xC0  }
0xab: {  	_ =	task [dreg:s6], $0x5FFFF  }
0xac: {  	[dreg:$0x1] =	wrdreg $0xFFFFFFFF  }
0xad: {  	[dreg:$0x0] =	wrdreg $0x60  }
0xae: {  	[dreg:$0x2] =	wrdreg s24  }
0xaf: {  	[dreg:$0x3] =	wrdreg $0x9  }
0xb0: {  	_ =	task.clear_ibuf [dreg:s6], $0x4FFFF;
	_ =	strace $0x90000046  }
0xb1: {  	s29 =	simm.s32 $0x9;
	_ =	strace $0x80000048  }
0xb2: {  	_ =	swait.ge [sflag:s29], $0x1  }
0xb3: {  	[sflag:s29] =	ssyncadd.s32 $0xFFFFFFFF  }
0xb4: {  	_ =	strace $0x90000048  }
0xb5: {  	_ =	sfence  }
0xb6: {  	s30 =	sld [smem:$0x0];
	_ =	sdelay $0x2  }
0xb7: {  	s31 =	sshll.u32 s1, $0xD;
	s1 =	sshrl.u32 s1, $0x2  }
0xb8: {  	s3 =	sand.u32 $0x4000, s31;
	s1 =	sadd.s32 s1, s30  }
0xb9: {  	s0 =	sor.u32 s3, s0;
	s1 =	sshll.u32 s1, $0x11  }
0xba: {  	s0 =	sor.u32 s1, s0  }
0xbb: {  	s0 =	sadd.s32 $0x8F2B, s0  }
0xbc: {  	[sflag:s0] =	ssyncadd.remote.s32 $0x1  }
0xbd: {  	_ =	sfence.sel $0xFFFF  }
0xbe: {  	[dreg:$0x0] =	wrdreg $0xFFFFFFFF;
	(pc) =	sbr.abs _section_cstart, $3  }
0xbf: {  	[dreg:$0x1] =	wrdreg $0xFFFFFFFF  }
0xc0: {  	_ =	task.clear_ibuf [dreg:s6], $0x2FFFF;
	_ =	strace $0x9FFFFFFF  }
0xc1: {  	(tm) =	ssettm $0x7FFFFFFF  }
tec
execute0_lowered:
.L_overlay_start_1:
0x0: {  	(tag) =	ssettag $0x1  }
0x1: {  	s0 =	stileid.u32;
	s1 =	srdreg.scid  }
0x2: {  	s1 =	sand.u32 $0x1, s1;
	s2 =	sshll.u32 s0, $0x1  }
0x3: {  	s1 =	sor.u32 s2, s1  }
0x4: {  	s2 =	smul.u32 $0x2F0, s1;
	_ =	sdelay $0x1  }
0x5: {  	s6 =	ssub.s32 $0xBC00, s2  }
0x6: {  	s31 =	smul.u32 $0xAE4D, s6  }
0x7: {  	s8 =	rddreg [dreg:$0x0];
	s5 =	simm.s32 $0x1;
	s10 =	simm.s32 $0x3  }
0x8: {  	s13 =	simm.s32 $0x0;
	s12 =	simm.s32 $0x0;
	s7 =	sshrl.u32 s31, $0x1E  }
0x9: {  	s3 =	sadd.s32 $0x2A00, s8;
	s4 =	sadd.s32 $0x7E00, s8;
	s9 =	smul.u32 $0x5E00, s7  }
.Ltmp0:
0xa: {  	s8 =	sadd.s32 $0xEA00, s8;
	s1 =	rddreg [dreg:$0x1];
	(pc) =	sbr.rel .LBB2_1-.Ltmp0, $4  }
0xb: {  	_ =	strace $0x80000047;
	p0 =	sne.s32 s6, s9;
	s9 =	simm.s32 $0x1  }
0xc: {  	[sflag:s5] =	ssyncpa.u1 $0x0;
	s6 =	simm.s32 $0x2;
	s9 =	simm.s32 @!p0 $0x0  }
0xd: {  	s11 =	smov.u32 s2;
	[sflag:s6] =	ssyncpa.u1 $0x0;
	s7 =	sadd.s32 s7, s9  }
0xe: {  	vm0 =	vmmov $0xffff;
	[sflag:s10] =	ssyncpa.u1 $0x0;
	s10 =	simm.s32 $0x0;
	s9 =	sadd.s32 $0x1, s7  }
.LBB2_4:
0xf: {  	vm1 =	veq.s32 v4, $0x80000000;
	v56 =	vand.u32 $0x3, v4;
	v6 =	vand.u32 $0x7FFF, v6  }
0x10: {  	v2 =	vor.u32 v2, v5;
	v59 =	vshrl.u32 v1, $0x2;
	v60 =	vand.u32 $0x3, v1  }
0x11: {  	v4 =	vsel vm1, $0xFFFFFFFF, v56;
	v6 =	vsel vm1, $0xFFFFFFFF, v6;
	v2 =	vor.u32 v3, v2  }
0x12: {  	vm1 =	veq.s32 v1, $0x80000000;
	v5 =	vand.u32 $0x7FFF, v59;
	v7 =	vshrl.u32 v4, $0x2  }
0x13: {  	v57 =	vshll.u32 v6, $0x2;
	v4 =	vshll.u32 v4, $0x7;
	v1 =	vsel vm1, $0xFFFFFFFF, v60  }
0x14: {  	v5 =	vsel vm1, $0xFFFFFFFF, v5;
	v6 =	vand.u32 $0x7F, v6;
	v7 =	vmul.u32 $0x14400, v7  }
0x15: {  	v58 =	vand.u32 $0xFFFFFE00, v57;
	v4 =	vand.u32 $0x180, v4;
	v61 =	vshrl.u32 v1, $0x2  }
0x16: {  	v62 =	vshll.u32 v5, $0x2;
	v3 =	vadd.s32 v7, v58;
	v7 =	vmul.u32 $0x14400, v61  }
0x17: {  	v1 =	vshll.u32 v1, $0x7;
	v3 =	vor.u32 v4, v3;
	v4 =	vand.u32 $0xFFFFFE00, v62  }
0x18: {  	v1 =	vand.u32 $0x180, v1;
	v3 =	vor.u32 v6, v3;
	v4 =	vadd.s32 v7, v4  }
0x19: {  	[tilespmem:s16], [sflag:$0x1] =	stream.indirect_vreg.gather [hbm4b:s3+s10], $0x1, v0, vm0, $0x4038;
	v63 =	vand.u32 $0x7F, v5;
	v1 =	vor.u32 v1, v4;
	[tilespmem:$0xBC0] =	vst v63  }
0x1a: {  	s15 =	sadd.s32 $0x10, s15;
	(ifvalue) =	ssetifvalue $0x7FFFFFFF;
	v0 =	vor.u32 v63, v1  }
0x1b: {  	[tilespmem:s15], [sflag:$0x1] =	stream.indirect_vreg.gather [hbm4b:s3+s10], $0x1, v2, vm0, $0x4038;
	[tilespmem:$0xBC0] =	vst v63  }
0x1c: {  	s15 =	sadd.s32 $0x10, s15;
	(ifvalue) =	ssetifvalue $0x7FFFFFFF  }
0x1d: {  	[tilespmem:s15], [sflag:$0x1] =	stream.indirect_vreg.gather [hbm4b:s3+s10], $0x1, v3, vm0, $0x4038;
	[tilespmem:$0xBC0] =	vst v63  }
0x1e: {  	s15 =	sadd.s32 $0x10, s15;
	(ifvalue) =	ssetifvalue $0x7FFFFFFF  }
0x1f: {  	[tilespmem:s15], [sflag:$0x1] =	stream.indirect_vreg.gather [hbm4b:s3+s10], $0x1, v0, vm0, $0x4038;
	[tilespmem:$0xBC0] =	vst v63  }
0x20: {  	_ =	swait.ge [sflag:s5], $0x2F0  }
0x21: {  	s30 =	sshrl.u32 s13, $0x3;
	[sflag:s5] =	ssyncset.done $0x0  }
0x22: {  	s31 =	sand.u32 $0x7, s13;
	s15 =	sadd.s32 s8, s30;
	[sflag:s5] =	ssyncadd.s32 $0xFFFFFD10  }
0x23: {  	[hbm4b:s15+s31] =	stream.linear.scatter [tilespmem:s14], [sflag:$0x3], $0x2F0, $0x38;
	[tilespmem:$0xBC0] =	vst v63  }
.LBB2_5:
0x24: {  	s15 =	sadd.s32 $0x5E00, s11  }
0x25: {  	p1 =	sgt.s32 s15, $0xBBFF  }
0x26: {  	s15 =	smov.u32 @p1 s2;
	p1 =	sne.s32 s12, s9  }
.Ltmp1:
0x27: {  	p0 =	slt.u32 s12, $0x2;
	(pc) =	sbr.rel @!p1 .LBB2_6-.Ltmp1, $4  }
0x28: {  	s14 =	simm.s32 @!p0 $0x3  }
0x29: {  	_ =	swait.ge @!p0 [sflag:s14], $0x2F0  }
0x2a: {  	s16 =	sadd.s32 $0x1, s12;
	s13 =	smov.u32 s11;
	[sflag:s14] =	ssyncset.done @!p0 $0x0  }
0x2b: {  	s12 =	smov.u32 s16;
	s11 =	smov.u32 s15;
	[sflag:s14] =	ssyncadd.s32 @!p0 $0xFFFFFD10  }
.LBB2_1:
0x2c: {  	p0 =	sge.u32 s12, s7  }
0x2d: {  	s14 =	sxor.u32 @!p0 $0xFFFFFFFF, s12  }
0x2e: {  	s14 =	sand.u32 @!p0 $0x1, s14  }
0x2f: {  	s14 =	smul.u32 @!p0 $0xBC0, s14  }
0x30: {  	s31 =	sadd.s32 $0xFFFFFFFF, s12;
	s15 =	sshrl.u32 @!p0 s11, $0x3  }
0x31: {  	s16 =	sand.u32 @!p0 $0x7, s11;
	s15 =	sadd.s32 @!p0 s4, s15;
	s14 =	sshrl.u32 @!p0 s14, $0x2  }
0x32: {  	[tilespmem:s14], [sflag:$0x2] =	stream.linear.gather @!p0 [hbm4b:s15+s16], $0x2F0, $0x38;
	[tilespmem:$0xBC0] =	vst v63  }
0x33: {  	p0 =	sge.u32 s31, s7  }
.Ltmp2:
0x34: {  	_ = 	snop;
	(pc) =	sbr.rel @p0 .LBB2_5-.Ltmp2, $1  }
0x35: {  	_ =	sdelay $0x3  }
0x36: {  	s14 =	sand.u32 $0x1, s12  }
0x37: {  	_ =	swait.ge [sflag:s6], $0x2F0;
	p0 =	seq.s32 s14, $0x1;
	s14 =	simm.s32 $0x2F0  }
0x38: {  	[sflag:s6] =	ssyncset.done $0x0;
	s14 =	simm.s32 @!p0 $0x0  }
0x39: {  	[sflag:s6] =	ssyncadd.s32 $0xFFFFFD10;
	(ifvalue) =	ssetifvalue $0x7FFFFFFF;
	v0 =	vld.msk [tilespmem:s14+$0x0 ss:$0x1], $0xffff  }
0x3a: {  	s15 =	sadd.s32 $0x10, s14  }
0x3b: {  	v1 =	vld.msk [tilespmem:s15+$0x0 ss:$0x1], $0xffff;
	_ =	sdelay $0x2  }
0x3c: {  	v2 =	vshrl.u32 v0, $0x2  }
0x3d: {  	vm1 =	veq.s32 v0, $0x80000000;
	v0 =	vand.u32 $0x3, v0;
	v2 =	vand.u32 $0x7FFF, v2  }
0x3e: {  	v0 =	vsel vm1, $0xFFFFFFFF, v0;
	v6 =	vshrl.u32 v1, $0x2;
	v2 =	vsel vm1, $0xFFFFFFFF, v2  }
0x3f: {  	v3 =	vshrl.u32 v0, $0x2;
	v0 =	vshll.u32 v0, $0x7;
	vm1 =	veq.s32 v1, $0x80000000  }
0x40: {  	s15 =	sadd.s32 $0x10, s15;
	v1 =	vand.u32 $0x3, v1;
	v4 =	vshll.u32 v2, $0x2;
	v3 =	vmul.u32 $0x14400, v3  }
0x41: {  	v0 =	vand.u32 $0x180, v0;
	v7 =	vand.u32 $0x7F, v2;
	v5 =	vand.u32 $0xFFFFFE00, v4;
	v4 =	vld.msk [tilespmem:s15+$0x0 ss:$0x1], $0xffff  }
0x42: {  	v1 =	vsel vm1, $0xFFFFFFFF, v1;
	v2 =	vadd.s32 v3, v5;
	v3 =	vand.u32 $0x7FFF, v6  }
0x43: {  	v3 =	vsel vm1, $0xFFFFFFFF, v3;
	v0 =	vor.u32 v0, v2;
	v2 =	vshrl.u32 v1, $0x2  }
0x44: {  	v1 =	vshll.u32 v1, $0x7;
	v5 =	vshll.u32 v3, $0x2;
	v8 =	vmul.u32 $0x14400, v2  }
0x45: {  	s18 =	simm.s32 $0x30;
	s14 =	sadd.s32 $0x5E0, s14;
	s17 =	sadd.s32 $0x10, s15;
	v2 =	vand.u32 $0x180, v1;
	v0 =	vor.u32 v7, v0;
	v5 =	vand.u32 $0xFFFFFE00, v5  }
0x46: {  	s16 =	smov.u32 s14;
	s15 =	smov.u32 s14;
	v1 =	vld.msk [tilespmem:s17+$0x0 ss:$0x1], $0xffff;
	v3 =	vand.u32 $0x7F, v3;
	(ifvalue) =	ssetifvalue $0x7FFFFFFF;
	v6 =	vshrl.u32 v4, $0x2;
	v5 =	vadd.s32 v8, v5  }
.LBB2_3:
0x47: {  	s18 =	sadd.s32 $0x10, s18  }
0x48: {  	vm1 =	veq.s32 v4, $0x80000000;
	v4 =	vand.u32 $0x3, v4;
	v6 =	vand.u32 $0x7FFF, v6;
	s15 =	sadd.s32 $0x10, s15;
	p0 =	slt.u32 s18, $0x2E0  }
.Ltmp3:
0x49: {  	v5 =	vor.u32 v2, v5;
	v4 =	vsel vm1, $0xFFFFFFFF, v4;
	v7 =	vsel vm1, $0xFFFFFFFF, v6;
	(pc) =	sbr.rel @p0 .LBB2_3-.Ltmp3, $4  }
0x4a: {  	v2 =	vshrl.u32 v4, $0x2;
	v6 =	vshll.u32 v7, $0x2;
	v4 =	vshll.u32 v4, $0x7;
	[tilespmem:s16], [sflag:$0x1] =	stream.indirect_vreg.gather [hbm4b:s3+s10], $0x1, v0, vm0, $0x4038;
	[tilespmem:$0xBC0] =	vst v63  }
0x4b: {  	v0 =	vor.u32 v3, v5;
	s16 =	smov.u32 s15;
	v8 =	vmul.u32 $0x14400, v2;
	v2 =	vand.u32 $0x180, v4  }
0x4c: {  	s17 =	sadd.s32 $0x10, s17;
	v9 =	vand.u32 $0xFFFFFE00, v6  }
0x4d: {  	v3 =	vand.u32 $0x7F, v7;
	v6 =	vshrl.u32 v1, $0x2;
	v5 =	vadd.s32 v8, v9;
	(ifvalue) =	ssetifvalue $0x7FFFFFFF;
	v4 =	vmovc v1;
	v1 =	vld.msk [tilespmem:s17+$0x0 ss:$0x1], $0xffff  }
.Ltmp4:
0x4e: {  	_ = 	snop;
	(pc) =	sbr.rel .LBB2_4-.Ltmp4, $1  }
0x4f: {  	_ =	sdelay $0x3  }
.LBB2_6:
0x50: {  	_ =	sfence.sel $0x180000  }
0x51: {  	s2 =	simm.s32 $0x2;
	[bflag:$0x0] =	sbarrier.arrive $0xFFFF  }
0x52: {  	s30 =	simm.s32 $0x3;
	[sflag:s2] =	ssyncpa.u1 $0x1  }
0x53: {  	s31 =	simm.s32 $0x1;
	[sflag:s30] =	ssyncpa.u1 $0x1  }
0x54: {  	[sflag:s31] =	ssyncpa.u1 $0x1  }
0x55: {  	p0 =	sne.s32 s0, $0x0;
	_ =	strace $0x90000047  }
0x56: {  	s0 =	sadd.s32 @!p0 $0x100000, s1;
	[bflag:$0x2] =	sbarrier.arrive $0xFFFF  }
0x57: {  	[sflag:s0] =	ssyncadd.tile.s32 @!p0 $0x1;
	_ =	shalt  }
.Lfunc_end2:
_tile_overlayer_lowered:
.L_overlay_start_2:
0x58: {  	(tag) =	ssettag $0x2  }
0x59: {  	s0 =	rddreg [dreg:$0x0];
	s2 =	stileid.u32  }
0x5a: {  	s1 =	rddreg [dreg:$0x1];
	p0 =	sne.s32 s2, $0x0  }
0x5b: {  	s3 =	rddreg [dreg:$0x2];
	[bflag:$0x3] =	sbarrier.arrive $0xFFFF;
	s2 =	simm.s32 @!p0 $0x1C01  }
0x5c: {  	[timem:s3], [sflag:s2] =	dma.local @!p0 [hbm:s0], s1  }
0x5d: {  	s0 =	simm.s32 @!p0 $0x1  }
0x5e: {  	_ =	swait.ge @!p0 [sflag:s0], s1  }
0x5f: {  	s1 =	ssub.s32 @!p0 $0x0, s1;
	[sflag:s0] =	ssyncset.done @!p0 $0x0  }
0x60: {  	[sflag:s0] =	ssyncadd.s32 @!p0 s1  }
0x61: {  	[bflag:$0x3] =	sbarrier.arrive $0xFFFF  }
0x62: {  	_ =	shalt  }

// kernel: gather_offload_async_start
scs
__scs_entry_jumppad:
0x0: {  	(pc) =	sbr.rel $0x88, $3  }
0x1: {  	(tag) =	ssettag $0x0;
	lr =	simm.s32 $0x1  }
0x2: {  	[smem:$0x3F9E] =	sst lr;
	_ =	strace $0xD0000000  }
0x3: {  	_ = 	snop  }
0x4: {  	_ = 	snop  }
0x5: {  	_ = 	snop  }
0x6: {  	_ = 	snop  }
0x7: {  	_ = 	snop  }
__scs_overlays_trampoline_lowered:
0x8: {  	[smem:$0x3FAD] =	sst s0  }
0x9: {  	[smem:$0x3FAE] =	sst s1  }
0xa: {  	[smem:$0x3FAF] =	sst s2  }
0xb: {  	[smem:$0x3FB0] =	sst s3  }
0xc: {  	[smem:$0x3FB1] =	sst s4  }
0xd: {  	[smem:$0x3FB2] =	sst s5  }
0xe: {  	[smem:$0x3FB3] =	sst s6  }
0xf: {  	[smem:$0x3FB4] =	sst s7  }
0x10: {  	[smem:$0x3FB5] =	sst s8  }
0x11: {  	[smem:$0x3FB6] =	sst s9;
	s0 =	simm.s32 @!p0 $0x0  }
0x12: {  	s1 =	sld [smem:$0x3F9C];
	s0 =	simm.s32 @p0 $0x1  }
0x13: {  	[smem:$0x3FB7] =	sst s0;
	s0 =	simm.s32 @!p1 $0x0  }
0x14: {  	s2 =	sld [smem:$0x3F9B];
	s0 =	simm.s32 @p1 $0x1  }
0x15: {  	[smem:$0x3FB8] =	sst s0;
	s0 =	simm.s32 @!p2 $0x0  }
0x16: {  	s3 =	sld [smem:$0x3FDB];
	s0 =	simm.s32 @p2 $0x1  }
0x17: {  	s4 =	simm.s32 $0x1BF5;
	[smem:$0x3FBA] =	sst s0  }
0x18: {  	s0 =	sld [smem:$0x3F9D];
	_ =	swait.ge [sflag:s4], $0x0  }
0x19: {  	s7 =	sld [smem:$0x3F9E]  }
0x1a: {  	s8 =	sadd.s32 $0xFFFFE003, lr  }
0x1b: {  	s9 =	sadd.s32 $0xFFFFFEF7, lr;
	s5 =	simm.s32 $0xFFFFFFFF;
	p2 =	slt.u32 s8, $0xFFFFF086  }
0x1c: {  	p1 =	slt.u32 s9, $0xF7A;
	s5 =	simm.s32 @!p2 $0x0  }
0x1d: {  	s5 =	simm.s32 @p1 $0x1;
	p0 =	seq.s32 s7, s2  }
0x1e: {  	s7 =	smul.u32 @!p0 $0xF7A, s2;
	p2 =	seq.s32 @!p0 s5, $0x0  }
0x1f: {  	s9 =	smul.u32 $0xF7A, s1;
	s8 =	simm.s32 @!p0 $0x1BF5;
	p2 =	por !p2, p0  }
0x20: {  	[sflag:s8] =	ssyncset.s32 @!p0 $0xFFFFF086;
	s6 =	sadd.s32 @!p0 s3, s7;
	s7 =	simm.s32 @!p0 $0x108  }
0x21: {  	s3 =	sadd.s32 s3, s9;
	s6 =	sadd.s32 @!p0 $0x88, s6;
	s7 =	simm.s32 @p2 $0x1082  }
0x22: {  	[simem:s7], [sflag:s8] =	dma.local @!p0 [hbm:s6], $0xF7A  }
0x23: {  	s9 =	sor.u32 $0xD0000000, s2;
	s6 =	simm.s32 $0x108;
	_ =	swait.ge @!p0 [sflag:s8], $0x0  }
0x24: {  	s3 =	sadd.s32 $0x88, s3;
	s6 =	simm.s32 @!p1 $0x1082;
	[sflag:s4] =	ssyncset.s32 $0xFFFFF086  }
0x25: {  	[simem:s6], [sflag:s4] =	dma.local [hbm:s3], $0xF7A  }
0x26: {  	[smem:$0x3F9E] =	sst s1;
	(tag) =	ssettag s2;
	_ =	strace s9  }
0x27: {  	s1 =	sld [smem:$0x3FAE]  }
0x28: {  	s2 =	sld [smem:$0x3FAF]  }
0x29: {  	s4 =	sld [smem:$0x3FB1]  }
0x2a: {  	p0 =	seq.s32 s5, $0x0;
	s5 =	sld [smem:$0x3FB2]  }
0x2b: {  	s6 =	sld [smem:$0x3FB3]  }
0x2c: {  	s7 =	sld [smem:$0x3FB4]  }
0x2d: {  	s3 =	simm.s32 $0x108;
	s8 =	sld [smem:$0x3FB5]  }
0x2e: {  	s3 =	simm.s32 @!p0 $0x1082;
	s9 =	sld [smem:$0x3FB6]  }
0x2f: {  	lr =	sadd.s32 s0, s3;
	s0 =	sld [smem:$0x3FAD]  }
0x30: {  	s3 =	sld [smem:$0x3FB0]  }
0x31: {  	[smem:$0x3FB9] =	sst s10  }
0x32: {  	s10 =	sld [smem:$0x3FB7];
	_ =	sdelay $0x3  }
0x33: {  	p0 =	seq.s32 s10, $0x1;
	s10 =	sld [smem:$0x3FB9];
	_ =	sdelay $0x3  }
0x34: {  	[smem:$0x3FB9] =	sst s10  }
0x35: {  	s10 =	sld [smem:$0x3FB8];
	_ =	sdelay $0x3  }
0x36: {  	p1 =	seq.s32 s10, $0x1;
	s10 =	sld [smem:$0x3FB9];
	_ =	sdelay $0x3  }
0x37: {  	[smem:$0x3FB9] =	sst s10  }
0x38: {  	s10 =	sld [smem:$0x3FBA]  }
0x39: {  	_ = 	snop;
	(pc) =	sbr.ind lr, $3  }
0x3a: {  	_ = 	snop  }
0x3b: {  	_ = 	snop  }
0x3c: {  	p2 =	seq.s32 s10, $0x1;
	s10 =	sld [smem:$0x3FB9]  }
0x3d: {  	_ =	shalt  }
0x3e: {  	_ =	shalt  }
0x3f: {  	_ =	shalt  }
0x40: {  	_ =	shalt  }
0x41: {  	_ =	shalt  }
0x42: {  	_ =	shalt  }
0x43: {  	_ =	shalt  }
0x44: {  	_ =	shalt  }
0x45: {  	_ =	shalt  }
0x46: {  	_ =	shalt  }
0x47: {  	_ =	shalt  }
0x48: {  	_ =	shalt  }
0x49: {  	_ =	shalt  }
0x4a: {  	_ =	shalt  }
0x4b: {  	_ =	shalt  }
0x4c: {  	_ =	shalt  }
0x4d: {  	_ =	shalt  }
0x4e: {  	_ =	shalt  }
0x4f: {  	_ =	shalt  }
0x50: {  	_ =	shalt  }
0x51: {  	_ =	shalt  }
0x52: {  	_ =	shalt  }
0x53: {  	_ =	shalt  }
0x54: {  	_ =	shalt  }
0x55: {  	_ =	shalt  }
0x56: {  	_ =	shalt  }
0x57: {  	_ =	shalt  }
0x58: {  	_ =	shalt  }
0x59: {  	_ =	shalt  }
0x5a: {  	_ =	shalt  }
0x5b: {  	_ =	shalt  }
0x5c: {  	_ =	shalt  }
0x5d: {  	_ =	shalt  }
0x5e: {  	_ =	shalt  }
0x5f: {  	_ =	shalt  }
0x60: {  	_ =	shalt  }
0x61: {  	_ =	shalt  }
0x62: {  	_ =	shalt  }
0x63: {  	_ =	shalt  }
0x64: {  	_ =	shalt  }
0x65: {  	_ =	shalt  }
0x66: {  	_ =	shalt  }
0x67: {  	_ =	shalt  }
0x68: {  	_ =	shalt  }
0x69: {  	_ =	shalt  }
0x6a: {  	_ =	shalt  }
0x6b: {  	_ =	shalt  }
0x6c: {  	_ =	shalt  }
0x6d: {  	_ =	shalt  }
0x6e: {  	_ =	shalt  }
0x6f: {  	_ =	shalt  }
0x70: {  	_ =	shalt  }
0x71: {  	_ =	shalt  }
0x72: {  	_ =	shalt  }
0x73: {  	_ =	shalt  }
0x74: {  	_ =	shalt  }
0x75: {  	_ =	shalt  }
0x76: {  	_ =	shalt  }
0x77: {  	_ =	shalt  }
0x78: {  	_ =	shalt  }
0x79: {  	_ =	shalt  }
0x7a: {  	_ =	shalt  }
0x7b: {  	_ =	shalt  }
0x7c: {  	_ =	shalt  }
0x7d: {  	_ =	shalt  }
0x7e: {  	_ =	shalt  }
0x7f: {  	_ =	shalt  }
0x80: {  	_ =	shalt  }
0x81: {  	_ =	shalt  }
0x82: {  	_ =	shalt  }
0x83: {  	_ =	shalt  }
0x84: {  	_ =	shalt  }
0x85: {  	_ =	shalt  }
0x86: {  	_ =	shalt  }
0x87: {  	_ =	shalt  }
.Lfunc_end0:
.L_simem_size_0:
called_computation_lowered:
.L_overlay_start_0:
0x88: {  	s2 =	sld [smem:$0x3FD9]  }
0x89: {  	s3 =	sld [smem:$0x3FFE];
	_ =	sdelay $0x1  }
0x8a: {  	s1 =	srdreg.scid  }
0x8b: {  	s0 =	sand.u32 $0x1, s1  }
0x8c: {  	s16 =	sshll.u32 s0, $0xA;
	s2 =	sadd.s32 s3, s2  }
0x8d: {  	s2 =	sadd.s32 s2, s16  }
0x8e: {  	[smem:$0x3FC5] =	sst s2  }
0x8f: {  	_ = 	snop  }
0x90: {  	(tm) =	ssettm $0x1  }
0x91: {  	s17 =	sld [smem:$0x3FFB];
	_ =	sdelay $0x3  }
0x92: {  	_ =	strace s17  }
0x93: {  	s2 =	sld [smem:$0x3FFC];
	_ =	sdelay $0x3  }
0x94: {  	_ =	strace s2  }
0x95: {  	s2 =	sld [smem:$0x3FFD];
	_ =	sdelay $0x3  }
0x96: {  	_ =	strace s2  }
0x97: {  	_ =	strace $0x8FFFFFFF  }
0x98: {  	s18 =	sld [smem:$0x3FDB];
	_ =	sdelay $0x1  }
0x99: {  	s19 =	simm.s32 $_scs_section_size  }
0x9a: {  	s4 =	simm.s32 $_size__tile_overlayer_lowered;
	s5 =	simm.s32 $_tile_overlayer_lowered  }
0x9b: {  	s22 =	simm.s32 $0x1BFF;
	s21 =	sshll.u32 s5, $0x1;
	s2 =	sadd.s32 s19, s18  }
0x9c: {  	s6 =	simm.s32 $0x0;
	s20 =	sshll.u32 s4, $0x1;
	s4 =	sadd.s32 s21, s2  }
0x9d: {  	[timem:s6], [sflag:s22] =	dma.local [hbm:s4], s20  }
0x9e: {  	_ =	swait.ge [sflag:s22], s20  }
0x9f: {  	s3 =	ssub.s32 $0x0, s20;
	[sflag:s22] =	ssyncset.done $0x0  }
0xa0: {  	[sflag:s22] =	ssyncadd.s32 s3;
	_ =	sdelay $0x1  }
0xa1: {  	s23 =	simm.s32 $0x1B8B  }
0xa2: {  	_ =	swait.ge [sflag:s23], $0x1  }
0xa3: {  	[sflag:s23] =	ssyncset.done $0x0  }
0xa4: {  	s25 =	simm.s32 $0x1B8E;
	s24 =	sld [smem:$0x3FFE];
	[sflag:s23] =	ssyncadd.s32 $0xFFFFFFFF  }
0xa5: {  	s26 =	simm.s32 $execute0_lowered;
	[smem:$0x3FD2] =	sst s25  }
0xa6: {  	s4 =	sshll.u32 s26, $0x1;
	_ =	strace $0x80000049;
	[dreg:$0x1] =	wrdreg $0xFFFFFFFF  }
0xa7: {  	s28 =	simm.s32 $_size_execute0_lowered;
	s2 =	sadd.s32 s2, s4;
	[dreg:$0x0] =	wrdreg $0x0  }
0xa8: {  	s4 =	sshll.u32 s28, $0x1;
	[dreg:$0x2] =	wrdreg s2  }
0xa9: {  	[dreg:$0x3] =	wrdreg s4  }
0xaa: {  	[dreg:$0x4] =	wrdreg $0xC0  }
0xab: {  	_ =	task [dreg:s6], $0x5FFFF  }
0xac: {  	[dreg:$0x1] =	wrdreg $0xFFFFFFFF  }
0xad: {  	[dreg:$0x0] =	wrdreg $0x60  }
0xae: {  	[dreg:$0x2] =	wrdreg s24  }
0xaf: {  	[dreg:$0x3] =	wrdreg $0x9  }
0xb0: {  	_ =	task.clear_ibuf [dreg:s6], $0x4FFFF;
	_ =	strace $0x90000049  }
0xb1: {  	s29 =	simm.s32 $0x9;
	_ =	strace $0x8000004B  }
0xb2: {  	_ =	swait.ge [sflag:s29], $0x1  }
0xb3: {  	[sflag:s29] =	ssyncadd.s32 $0xFFFFFFFF  }
0xb4: {  	_ =	strace $0x9000004B  }
0xb5: {  	_ =	sfence  }
0xb6: {  	s30 =	sld [smem:$0x0];
	_ =	sdelay $0x2  }
0xb7: {  	s31 =	sshll.u32 s1, $0xD;
	s1 =	sshrl.u32 s1, $0x2  }
0xb8: {  	s3 =	sand.u32 $0x4000, s31;
	s1 =	sadd.s32 s1, s30  }
0xb9: {  	s0 =	sor.u32 s3, s0;
	s1 =	sshll.u32 s1, $0x11  }
0xba: {  	s0 =	sor.u32 s1, s0  }
0xbb: {  	s0 =	sadd.s32 $0x8F2B, s0  }
0xbc: {  	[sflag:s0] =	ssyncadd.remote.s32 $0x1  }
0xbd: {  	_ =	sfence.sel $0xFFFF  }
0xbe: {  	[dreg:$0x0] =	wrdreg $0xFFFFFFFF;
	(pc) =	sbr.abs _section_cstart, $3  }
0xbf: {  	[dreg:$0x1] =	wrdreg $0xFFFFFFFF  }
0xc0: {  	_ =	task.clear_ibuf [dreg:s6], $0x2FFFF;
	_ =	strace $0x9FFFFFFF  }
0xc1: {  	(tm) =	ssettm $0x7FFFFFFF  }
tec
execute0_lowered:
.L_overlay_start_1:
0x0: {  	(tag) =	ssettag $0x1  }
0x1: {  	s0 =	stileid.u32;
	s1 =	srdreg.scid  }
0x2: {  	s1 =	sand.u32 $0x1, s1;
	s2 =	sshll.u32 s0, $0x1  }
0x3: {  	s1 =	sor.u32 s2, s1  }
0x4: {  	s2 =	smul.u32 $0x2F0, s1;
	_ =	sdelay $0x1  }
0x5: {  	s6 =	ssub.s32 $0xBC00, s2  }
0x6: {  	s31 =	smul.u32 $0xAE4D, s6  }
0x7: {  	s8 =	rddreg [dreg:$0x0];
	s5 =	simm.s32 $0x1;
	s10 =	simm.s32 $0x3  }
0x8: {  	s13 =	simm.s32 $0x0;
	s12 =	simm.s32 $0x0;
	s7 =	sshrl.u32 s31, $0x1E  }
0x9: {  	s3 =	sadd.s32 $0x9600, s8;
	s4 =	sadd.s32 $0x7E00, s8;
	s9 =	smul.u32 $0x5E00, s7  }
.Ltmp0:
0xa: {  	s8 =	sadd.s32 $0xEA00, s8;
	s1 =	rddreg [dreg:$0x1];
	(pc) =	sbr.rel .LBB2_1-.Ltmp0, $4  }
0xb: {  	_ =	strace $0x8000004A;
	p0 =	sne.s32 s6, s9;
	s9 =	simm.s32 $0x1  }
0xc: {  	[sflag:s5] =	ssyncpa.u1 $0x0;
	s6 =	simm.s32 $0x2;
	s9 =	simm.s32 @!p0 $0x0  }
0xd: {  	s11 =	smov.u32 s2;
	[sflag:s6] =	ssyncpa.u1 $0x0;
	s7 =	sadd.s32 s7, s9  }
0xe: {  	vm0 =	vmmov $0xffff;
	[sflag:s10] =	ssyncpa.u1 $0x0;
	s10 =	simm.s32 $0x0;
	s9 =	sadd.s32 $0x1, s7  }
.LBB2_4:
0xf: {  	vm1 =	veq.s32 v4, $0x80000000;
	v56 =	vand.u32 $0x3, v4;
	v6 =	vand.u32 $0x7FFF, v6  }
0x10: {  	v2 =	vor.u32 v2, v5;
	v59 =	vshrl.u32 v1, $0x2;
	v60 =	vand.u32 $0x3, v1  }
0x11: {  	v4 =	vsel vm1, $0xFFFFFFFF, v56;
	v6 =	vsel vm1, $0xFFFFFFFF, v6;
	v2 =	vor.u32 v3, v2  }
0x12: {  	vm1 =	veq.s32 v1, $0x80000000;
	v5 =	vand.u32 $0x7FFF, v59;
	v7 =	vshrl.u32 v4, $0x2  }
0x13: {  	v57 =	vshll.u32 v6, $0x2;
	v4 =	vshll.u32 v4, $0x7;
	v1 =	vsel vm1, $0xFFFFFFFF, v60  }
0x14: {  	v5 =	vsel vm1, $0xFFFFFFFF, v5;
	v6 =	vand.u32 $0x7F, v6;
	v7 =	vmul.u32 $0x14400, v7  }
0x15: {  	v58 =	vand.u32 $0xFFFFFE00, v57;
	v4 =	vand.u32 $0x180, v4;
	v61 =	vshrl.u32 v1, $0x2  }
0x16: {  	v62 =	vshll.u32 v5, $0x2;
	v3 =	vadd.s32 v7, v58;
	v7 =	vmul.u32 $0x14400, v61  }
0x17: {  	v1 =	vshll.u32 v1, $0x7;
	v3 =	vor.u32 v4, v3;
	v4 =	vand.u32 $0xFFFFFE00, v62  }
0x18: {  	v1 =	vand.u32 $0x180, v1;
	v3 =	vor.u32 v6, v3;
	v4 =	vadd.s32 v7, v4  }
0x19: {  	[tilespmem:s16], [sflag:$0x1] =	stream.indirect_vreg.gather [hbm4b:s3+s10], $0x1, v0, vm0, $0x4038;
	v63 =	vand.u32 $0x7F, v5;
	v1 =	vor.u32 v1, v4;
	[tilespmem:$0xBC0] =	vst v63  }
0x1a: {  	s15 =	sadd.s32 $0x10, s15;
	(ifvalue) =	ssetifvalue $0x7FFFFFFF;
	v0 =	vor.u32 v63, v1  }
0x1b: {  	[tilespmem:s15], [sflag:$0x1] =	stream.indirect_vreg.gather [hbm4b:s3+s10], $0x1, v2, vm0, $0x4038;
	[tilespmem:$0xBC0] =	vst v63  }
0x1c: {  	s15 =	sadd.s32 $0x10, s15;
	(ifvalue) =	ssetifvalue $0x7FFFFFFF  }
0x1d: {  	[tilespmem:s15], [sflag:$0x1] =	stream.indirect_vreg.gather [hbm4b:s3+s10], $0x1, v3, vm0, $0x4038;
	[tilespmem:$0xBC0] =	vst v63  }
0x1e: {  	s15 =	sadd.s32 $0x10, s15;
	(ifvalue) =	ssetifvalue $0x7FFFFFFF  }
0x1f: {  	[tilespmem:s15], [sflag:$0x1] =	stream.indirect_vreg.gather [hbm4b:s3+s10], $0x1, v0, vm0, $0x4038;
	[tilespmem:$0xBC0] =	vst v63  }
0x20: {  	_ =	swait.ge [sflag:s5], $0x2F0  }
0x21: {  	s30 =	sshrl.u32 s13, $0x3;
	[sflag:s5] =	ssyncset.done $0x0  }
0x22: {  	s31 =	sand.u32 $0x7, s13;
	s15 =	sadd.s32 s8, s30;
	[sflag:s5] =	ssyncadd.s32 $0xFFFFFD10  }
0x23: {  	[hbm4b:s15+s31] =	stream.linear.scatter [tilespmem:s14], [sflag:$0x3], $0x2F0, $0x38;
	[tilespmem:$0xBC0] =	vst v63  }
.LBB2_5:
0x24: {  	s15 =	sadd.s32 $0x5E00, s11  }
0x25: {  	p1 =	sgt.s32 s15, $0xBBFF  }
0x26: {  	s15 =	smov.u32 @p1 s2;
	p1 =	sne.s32 s12, s9  }
.Ltmp1:
0x27: {  	p0 =	slt.u32 s12, $0x2;
	(pc) =	sbr.rel @!p1 .LBB2_6-.Ltmp1, $4  }
0x28: {  	s14 =	simm.s32 @!p0 $0x3  }
0x29: {  	_ =	swait.ge @!p0 [sflag:s14], $0x2F0  }
0x2a: {  	s16 =	sadd.s32 $0x1, s12;
	s13 =	smov.u32 s11;
	[sflag:s14] =	ssyncset.done @!p0 $0x0  }
0x2b: {  	s12 =	smov.u32 s16;
	s11 =	smov.u32 s15;
	[sflag:s14] =	ssyncadd.s32 @!p0 $0xFFFFFD10  }
.LBB2_1:
0x2c: {  	p0 =	sge.u32 s12, s7  }
0x2d: {  	s14 =	sxor.u32 @!p0 $0xFFFFFFFF, s12  }
0x2e: {  	s14 =	sand.u32 @!p0 $0x1, s14  }
0x2f: {  	s14 =	smul.u32 @!p0 $0xBC0, s14  }
0x30: {  	s31 =	sadd.s32 $0xFFFFFFFF, s12;
	s15 =	sshrl.u32 @!p0 s11, $0x3  }
0x31: {  	s16 =	sand.u32 @!p0 $0x7, s11;
	s15 =	sadd.s32 @!p0 s4, s15;
	s14 =	sshrl.u32 @!p0 s14, $0x2  }
0x32: {  	[tilespmem:s14], [sflag:$0x2] =	stream.linear.gather @!p0 [hbm4b:s15+s16], $0x2F0, $0x38;
	[tilespmem:$0xBC0] =	vst v63  }
0x33: {  	p0 =	sge.u32 s31, s7  }
.Ltmp2:
0x34: {  	_ = 	snop;
	(pc) =	sbr.rel @p0 .LBB2_5-.Ltmp2, $1  }
0x35: {  	_ =	sdelay $0x3  }
0x36: {  	s14 =	sand.u32 $0x1, s12  }
0x37: {  	_ =	swait.ge [sflag:s6], $0x2F0;
	p0 =	seq.s32 s14, $0x1;
	s14 =	simm.s32 $0x2F0  }
0x38: {  	[sflag:s6] =	ssyncset.done $0x0;
	s14 =	simm.s32 @!p0 $0x0  }
0x39: {  	[sflag:s6] =	ssyncadd.s32 $0xFFFFFD10;
	(ifvalue) =	ssetifvalue $0x7FFFFFFF;
	v0 =	vld.msk [tilespmem:s14+$0x0 ss:$0x1], $0xffff  }
0x3a: {  	s15 =	sadd.s32 $0x10, s14  }
0x3b: {  	v1 =	vld.msk [tilespmem:s15+$0x0 ss:$0x1], $0xffff;
	_ =	sdelay $0x2  }
0x3c: {  	v2 =	vshrl.u32 v0, $0x2  }
0x3d: {  	vm1 =	veq.s32 v0, $0x80000000;
	v0 =	vand.u32 $0x3, v0;
	v2 =	vand.u32 $0x7FFF, v2  }
0x3e: {  	v0 =	vsel vm1, $0xFFFFFFFF, v0;
	v6 =	vshrl.u32 v1, $0x2;
	v2 =	vsel vm1, $0xFFFFFFFF, v2  }
0x3f: {  	v3 =	vshrl.u32 v0, $0x2;
	v0 =	vshll.u32 v0, $0x7;
	vm1 =	veq.s32 v1, $0x80000000  }
0x40: {  	s15 =	sadd.s32 $0x10, s15;
	v1 =	vand.u32 $0x3, v1;
	v4 =	vshll.u32 v2, $0x2;
	v3 =	vmul.u32 $0x14400, v3  }
0x41: {  	v0 =	vand.u32 $0x180, v0;
	v7 =	vand.u32 $0x7F, v2;
	v5 =	vand.u32 $0xFFFFFE00, v4;
	v4 =	vld.msk [tilespmem:s15+$0x0 ss:$0x1], $0xffff  }
0x42: {  	v1 =	vsel vm1, $0xFFFFFFFF, v1;
	v2 =	vadd.s32 v3, v5;
	v3 =	vand.u32 $0x7FFF, v6  }
0x43: {  	v3 =	vsel vm1, $0xFFFFFFFF, v3;
	v0 =	vor.u32 v0, v2;
	v2 =	vshrl.u32 v1, $0x2  }
0x44: {  	v1 =	vshll.u32 v1, $0x7;
	v5 =	vshll.u32 v3, $0x2;
	v8 =	vmul.u32 $0x14400, v2  }
0x45: {  	s18 =	simm.s32 $0x30;
	s14 =	sadd.s32 $0x5E0, s14;
	s17 =	sadd.s32 $0x10, s15;
	v2 =	vand.u32 $0x180, v1;
	v0 =	vor.u32 v7, v0;
	v5 =	vand.u32 $0xFFFFFE00, v5  }
0x46: {  	s16 =	smov.u32 s14;
	s15 =	smov.u32 s14;
	v1 =	vld.msk [tilespmem:s17+$0x0 ss:$0x1], $0xffff;
	v3 =	vand.u32 $0x7F, v3;
	(ifvalue) =	ssetifvalue $0x7FFFFFFF;
	v6 =	vshrl.u32 v4, $0x2;
	v5 =	vadd.s32 v8, v5  }
.LBB2_3:
0x47: {  	s18 =	sadd.s32 $0x10, s18  }
0x48: {  	vm1 =	veq.s32 v4, $0x80000000;
	v4 =	vand.u32 $0x3, v4;
	v6 =	vand.u32 $0x7FFF, v6;
	s15 =	sadd.s32 $0x10, s15;
	p0 =	slt.u32 s18, $0x2E0  }
.Ltmp3:
0x49: {  	v5 =	vor.u32 v2, v5;
	v4 =	vsel vm1, $0xFFFFFFFF, v4;
	v7 =	vsel vm1, $0xFFFFFFFF, v6;
	(pc) =	sbr.rel @p0 .LBB2_3-.Ltmp3, $4  }
0x4a: {  	v2 =	vshrl.u32 v4, $0x2;
	v6 =	vshll.u32 v7, $0x2;
	v4 =	vshll.u32 v4, $0x7;
	[tilespmem:s16], [sflag:$0x1] =	stream.indirect_vreg.gather [hbm4b:s3+s10], $0x1, v0, vm0, $0x4038;
	[tilespmem:$0xBC0] =	vst v63  }
0x4b: {  	v0 =	vor.u32 v3, v5;
	s16 =	smov.u32 s15;
	v8 =	vmul.u32 $0x14400, v2;
	v2 =	vand.u32 $0x180, v4  }
0x4c: {  	s17 =	sadd.s32 $0x10, s17;
	v9 =	vand.u32 $0xFFFFFE00, v6  }
0x4d: {  	v3 =	vand.u32 $0x7F, v7;
	v6 =	vshrl.u32 v1, $0x2;
	v5 =	vadd.s32 v8, v9;
	(ifvalue) =	ssetifvalue $0x7FFFFFFF;
	v4 =	vmovc v1;
	v1 =	vld.msk [tilespmem:s17+$0x0 ss:$0x1], $0xffff  }
.Ltmp4:
0x4e: {  	_ = 	snop;
	(pc) =	sbr.rel .LBB2_4-.Ltmp4, $1  }
0x4f: {  	_ =	sdelay $0x3  }
.LBB2_6:
0x50: {  	_ =	sfence.sel $0x180000  }
0x51: {  	s2 =	simm.s32 $0x2;
	[bflag:$0x0] =	sbarrier.arrive $0xFFFF  }
0x52: {  	s30 =	simm.s32 $0x3;
	[sflag:s2] =	ssyncpa.u1 $0x1  }
0x53: {  	s31 =	simm.s32 $0x1;
	[sflag:s30] =	ssyncpa.u1 $0x1  }
0x54: {  	[sflag:s31] =	ssyncpa.u1 $0x1  }
0x55: {  	p0 =	sne.s32 s0, $0x0;
	_ =	strace $0x9000004A  }
0x56: {  	s0 =	sadd.s32 @!p0 $0x100000, s1;
	[bflag:$0x2] =	sbarrier.arrive $0xFFFF  }
0x57: {  	[sflag:s0] =	ssyncadd.tile.s32 @!p0 $0x1;
	_ =	shalt  }
.Lfunc_end2:
_tile_overlayer_lowered:
.L_overlay_start_2:
0x58: {  	(tag) =	ssettag $0x2  }
0x59: {  	s0 =	rddreg [dreg:$0x0];
	s2 =	stileid.u32  }
0x5a: {  	s1 =	rddreg [dreg:$0x1];
	p0 =	sne.s32 s2, $0x0  }
0x5b: {  	s3 =	rddreg [dreg:$0x2];
	[bflag:$0x3] =	sbarrier.arrive $0xFFFF;
	s2 =	simm.s32 @!p0 $0x1C01  }
0x5c: {  	[timem:s3], [sflag:s2] =	dma.local @!p0 [hbm:s0], s1  }
0x5d: {  	s0 =	simm.s32 @!p0 $0x1  }
0x5e: {  	_ =	swait.ge @!p0 [sflag:s0], s1  }
0x5f: {  	s1 =	ssub.s32 @!p0 $0x0, s1;
	[sflag:s0] =	ssyncset.done @!p0 $0x0  }
0x60: {  	[sflag:s0] =	ssyncadd.s32 @!p0 s1  }
0x61: {  	[bflag:$0x3] =	sbarrier.arrive $0xFFFF  }
0x62: {  	_ =	shalt  }

</sc_bundles>
